<compile_context>
chip_gen: v7x
topology: tpu7x:2x2x1
jax: 0.10.2.dev20260603
libtpu: 0.0.44.dev20260713+nightly
codegen_flags: <defaults>
</compile_context>

<pallas_src>
import functools

import jax
import jax.numpy as jnp
from jax import lax
from jax.experimental import pallas as pl
from jax.experimental.pallas import tpu as pltpu
from jax.experimental.pallas import tpu_sc as plsc

_B, _S, _D = 4, 4096, 2048
_N = _B * _S
_NC, _NS = 2, 16
_NW = _NC * _NS
_SPW = _S // _NW
_CS = 4
_NCS = _SPW // _CS
_NSL = 2 * _B
_VPU = _CS * _D // 16

_mesh = plsc.VectorSubcoreMesh(core_axis_name="c", subcore_axis_name="s")


@functools.partial(
    pl.kernel,
    out_type=jax.ShapeDtypeStruct((_N, _D), jnp.float32),
    mesh=_mesh,
    scratch_types=[
        pltpu.VMEM((_B, _SPW), jnp.int32),
        pltpu.VMEM((2, _CS, _D), jnp.float32),
        pltpu.VMEM((_NSL, _CS, _D), jnp.float32),
        pltpu.SemaphoreType.DMA,
    ] + [pltpu.SemaphoreType.DMA] * _NSL
      + [pltpu.SemaphoreType.DMA] * _NSL,
)
def _embed_sc(ids_hbm, tok_hbm, pos_hbm, out_hbm, idx_v, pos_v, res_v,
              sem_pos, *sems):
    gsems = sems[:_NSL]
    osems = sems[_NSL:]
    wid = lax.axis_index("s") * _NC + lax.axis_index("c")
    s0 = wid * _SPW

    def issue_pos(cs, p):
        pltpu.async_copy(pos_hbm.at[pl.ds(s0 + cs * _CS, _CS)], pos_v.at[p],
                         sem_pos)

    def issue_gather(cs, b, sl):
        pltpu.async_copy(tok_hbm.at[idx_v.at[b, pl.ds(cs * _CS, _CS)]],
                         res_v.at[sl], gsems[sl])

    def wait_gather(sl):
        pltpu.make_async_copy(pos_hbm.at[pl.ds(0, _CS)], res_v.at[sl],
                              gsems[sl]).wait()

    def wait_out(sl):
        pltpu.make_async_copy(pos_hbm.at[pl.ds(0, _CS)], res_v.at[sl],
                              osems[sl]).wait()

    for b in range(_B):
        pltpu.async_copy(ids_hbm.at[b, pl.ds(s0, _SPW)], idx_v.at[b],
                         osems[b])
    issue_pos(0, 0)
    for b in range(_B):
        pltpu.make_async_copy(ids_hbm.at[0, pl.ds(0, _SPW)], idx_v.at[b],
                              osems[b]).wait()
    for b in range(_B):
        issue_gather(0, b, b)

    @pl.loop(0, _NCS, step=2)
    def _chunks(j):
        for p in (0, 1):
            cs = j + p
            pltpu.make_async_copy(pos_hbm.at[pl.ds(0, _CS)], pos_v.at[p],
                                  sem_pos).wait()

            @pl.when(cs + 1 < _NCS)
            def _():
                issue_pos(cs + 1, 1 - p)

            pos_p = pos_v.at[p]
            for b in range(_B):
                sl = p * _B + b
                osl = (1 - p) * _B + b
                wait_gather(sl)
                res_b = res_v.at[sl]

                @plsc.parallel_loop(0, _VPU, unroll=8)
                def _add(t):
                    i = lax.shift_right_logical(t, 7)
                    k = pl.multiple_of(
                        lax.shift_left(lax.bitwise_and(t, 127), 4), 16)
                    plsc.addupdate(res_b.at[i, pl.ds(k, 16)],
                                   pos_p[i, pl.ds(k, 16)])

                pltpu.async_copy(
                    res_b,
                    out_hbm.at[pl.ds(b * _S + s0 + cs * _CS, _CS)],
                    osems[sl])

                @pl.when(cs >= 1)
                def _():
                    wait_out(osl)

                @pl.when(cs + 1 < _NCS)
                def _():
                    issue_gather(cs + 1, b, osl)

    for b in range(_B):
        wait_out(((_NCS - 1) % 2) * _B + b)


def kernel(token_ids, tok_table, pos_table):
    ids = token_ids.astype(jnp.int32)
    out = _embed_sc(ids, tok_table, pos_table)
    return out.reshape(_B, _S, _D)

# --- scband reference (transcript-rebuilt; emitter-appended) ---
"""Pipeline reference for scband-input-embedding-50792283242732 (READ-ONLY COPY).

The authoritative reference and input builder live on the scoring server;
editing this copy changes nothing except your own understanding.
"""

import jax, jax.numpy as jnp
import numpy as np

VOCAB = 100000
EMBED_DIM = 2048
CONTEXT_LEN = 4096
BATCH = 4
SEQ_LEN = 4096

def setup_inputs(seed: int = 0) -> dict:
    key = jax.random.key(seed)
    k1, k2, k3 = jax.random.split(key, 3)
    token_ids = jax.random.randint(k1, (BATCH, SEQ_LEN), 0, VOCAB, dtype=jnp.int64 if jax.config.jax_enable_x64 else jnp.int32)
    tok_table = jax.random.normal(k2, (VOCAB, EMBED_DIM), dtype=jnp.float32) * 0.02
    pos_table = jax.random.normal(k3, (CONTEXT_LEN, EMBED_DIM), dtype=jnp.float32) * 0.02
    return {"token_ids": token_ids, "tok_table": tok_table, "pos_table": pos_table}

def reference(token_ids, tok_table, pos_table):
    # token embedding: gather rows from the vocab table
    seq_len = token_ids.shape[1]
    token_embedding = jnp.take(tok_table, token_ids, axis=0)  # (B, S, D)
    pos_indices = jnp.arange(seq_len)
    pos_embedding = jnp.take(pos_table, pos_indices, axis=0)[None, :, :]  # (1, S, D)
    total_embedding = token_embedding + pos_embedding
    return total_embedding

if __name__ == "__main__":
    import jax
    _d = setup_inputs()
    print(jax.jit(kernel)(*tuple(_d.values())))

</pallas_src>

<mosaic_0001>
#map = affine_map<(d0, d1) -> (0, 0)>
module attributes {stable_mosaic.version = 14 : i64} {
  func.func @_embed_sc(%arg0: i32, %arg1: i32, %arg2: memref<4x4096xi32, #tpu.memory_space<hbm>>, %arg3: memref<100000x2048xf32, #tpu.memory_space<hbm>>, %arg4: memref<4096x2048xf32, #tpu.memory_space<hbm>>, %arg5: memref<16384x2048xf32, #tpu.memory_space<hbm>>, %arg6: memref<4x128xi32, #tpu.memory_space<vmem>>, %arg7: memref<2x4x2048xf32, #tpu.memory_space<vmem>>, %arg8: memref<8x4x2048xf32, #tpu.memory_space<vmem>>, %arg9: memref<!tpu.dma_semaphore, #tpu.memory_space<semaphore_mem>>, %arg10: memref<!tpu.dma_semaphore, #tpu.memory_space<semaphore_mem>>, %arg11: memref<!tpu.dma_semaphore, #tpu.memory_space<semaphore_mem>>, %arg12: memref<!tpu.dma_semaphore, #tpu.memory_space<semaphore_mem>>, %arg13: memref<!tpu.dma_semaphore, #tpu.memory_space<semaphore_mem>>, %arg14: memref<!tpu.dma_semaphore, #tpu.memory_space<semaphore_mem>>, %arg15: memref<!tpu.dma_semaphore, #tpu.memory_space<semaphore_mem>>, %arg16: memref<!tpu.dma_semaphore, #tpu.memory_space<semaphore_mem>>, %arg17: memref<!tpu.dma_semaphore, #tpu.memory_space<semaphore_mem>>, %arg18: memref<!tpu.dma_semaphore, #tpu.memory_space<semaphore_mem>>, %arg19: memref<!tpu.dma_semaphore, #tpu.memory_space<semaphore_mem>>, %arg20: memref<!tpu.dma_semaphore, #tpu.memory_space<semaphore_mem>>, %arg21: memref<!tpu.dma_semaphore, #tpu.memory_space<semaphore_mem>>, %arg22: memref<!tpu.dma_semaphore, #tpu.memory_space<semaphore_mem>>, %arg23: memref<!tpu.dma_semaphore, #tpu.memory_space<semaphore_mem>>, %arg24: memref<!tpu.dma_semaphore, #tpu.memory_space<semaphore_mem>>, %arg25: memref<!tpu.dma_semaphore, #tpu.memory_space<semaphore_mem>>) attributes {dimension_semantics = [#tpu.dimension_semantics<core_parallel>, #tpu.dimension_semantics<subcore_parallel>], iteration_bounds = array<i64: 2, 16>, scalar_prefetch = 0 : i64, scratch_operands = 20 : i64, tpu.core_type = #tpu.core_type<sc_vector_subcore>, window_params = [{transform_indices = #map}, {transform_indices = #map}, {transform_indices = #map}, {transform_indices = #map}]} {
    %mul3A = arith.constant 2 : i32
    %mul3A_0 = arith.muli %arg1, %mul3A : i32
    %add3A = arith.addi %mul3A_0, %arg0 : i32
    %mul3A_1 = arith.constant 128 : i32
    %mul3A_2 = arith.muli %add3A, %mul3A_1 : i32
    %dma_start3A = arith.constant 0 : i32
    %dma_start3A_3 = arith.constant 0 : i32
    %dma_start3A_4 = arith.constant 0 : i32
    %dma_start3A_5 = tpu.memref_slice %arg6[%dma_start3A_3, %dma_start3A_4] : memref<4x128xi32, #tpu.memory_space<vmem>> -> memref<1x128xi32, #tpu.memory_space<vmem>>
    %dma_start3A_6 = tpu.memref_squeeze %dma_start3A_5 : memref<1x128xi32, #tpu.memory_space<vmem>> -> memref<128xi32, #tpu.memory_space<vmem>>
    %dma_start3A_7 = tpu.memref_slice %arg2[%dma_start3A, %mul3A_2] : memref<4x4096xi32, #tpu.memory_space<hbm>> -> memref<1x128xi32, #tpu.memory_space<hbm>>
    %dma_start3A_8 = tpu.memref_squeeze %dma_start3A_7 : memref<1x128xi32, #tpu.memory_space<hbm>> -> memref<128xi32, #tpu.memory_space<hbm>>
    %dma_start3A_9 = arith.constant 0 : i32
    %dma_start3A_10 = tpu.memref_slice %arg6[%dma_start3A_3, %dma_start3A_9] : memref<4x128xi32, #tpu.memory_space<vmem>> -> memref<1x128xi32, #tpu.memory_space<vmem>>
    %dma_start3A_11 = tpu.memref_squeeze %dma_start3A_10 : memref<1x128xi32, #tpu.memory_space<vmem>> -> memref<128xi32, #tpu.memory_space<vmem>>
    %dma_start3A_12 = tpu.memref_slice %arg2[%dma_start3A, %mul3A_2] : memref<4x4096xi32, #tpu.memory_space<hbm>> -> memref<1x128xi32, #tpu.memory_space<hbm>>
    %dma_start3A_13 = tpu.memref_squeeze %dma_start3A_12 : memref<1x128xi32, #tpu.memory_space<hbm>> -> memref<128xi32, #tpu.memory_space<hbm>>
    tpu.enqueue_dma source(%dma_start3A_13 : memref<128xi32, #tpu.memory_space<hbm>>) target(%dma_start3A_11 : memref<128xi32, #tpu.memory_space<vmem>>) target_semaphore(%arg18 : memref<!tpu.dma_semaphore, #tpu.memory_space<semaphore_mem>>)
    %dma_start3A_14 = arith.constant 1 : i32
    %dma_start3A_15 = arith.constant 1 : i32
    %dma_start3A_16 = arith.constant 0 : i32
    %dma_start3A_17 = tpu.memref_slice %arg6[%dma_start3A_15, %dma_start3A_16] : memref<4x128xi32, #tpu.memory_space<vmem>> -> memref<1x128xi32, #tpu.memory_space<vmem>>
    %dma_start3A_18 = tpu.memref_squeeze %dma_start3A_17 : memref<1x128xi32, #tpu.memory_space<vmem>> -> memref<128xi32, #tpu.memory_space<vmem>>
    %dma_start3A_19 = tpu.memref_slice %arg2[%dma_start3A_14, %mul3A_2] : memref<4x4096xi32, #tpu.memory_space<hbm>> -> memref<1x128xi32, #tpu.memory_space<hbm>>
    %dma_start3A_20 = tpu.memref_squeeze %dma_start3A_19 : memref<1x128xi32, #tpu.memory_space<hbm>> -> memref<128xi32, #tpu.memory_space<hbm>>
    %dma_start3A_21 = arith.constant 0 : i32
    %dma_start3A_22 = tpu.memref_slice %arg6[%dma_start3A_15, %dma_start3A_21] : memref<4x128xi32, #tpu.memory_space<vmem>> -> memref<1x128xi32, #tpu.memory_space<vmem>>
    %dma_start3A_23 = tpu.memref_squeeze %dma_start3A_22 : memref<1x128xi32, #tpu.memory_space<vmem>> -> memref<128xi32, #tpu.memory_space<vmem>>
    %dma_start3A_24 = tpu.memref_slice %arg2[%dma_start3A_14, %mul3A_2] : memref<4x4096xi32, #tpu.memory_space<hbm>> -> memref<1x128xi32, #tpu.memory_space<hbm>>
    %dma_start3A_25 = tpu.memref_squeeze %dma_start3A_24 : memref<1x128xi32, #tpu.memory_space<hbm>> -> memref<128xi32, #tpu.memory_space<hbm>>
    tpu.enqueue_dma source(%dma_start3A_25 : memref<128xi32, #tpu.memory_space<hbm>>) target(%dma_start3A_23 : memref<128xi32, #tpu.memory_space<vmem>>) target_semaphore(%arg19 : memref<!tpu.dma_semaphore, #tpu.memory_space<semaphore_mem>>)
    %dma_start3A_26 = arith.constant 2 : i32
    %dma_start3A_27 = arith.constant 2 : i32
    %dma_start3A_28 = arith.constant 0 : i32
    %dma_start3A_29 = tpu.memref_slice %arg6[%dma_start3A_27, %dma_start3A_28] : memref<4x128xi32, #tpu.memory_space<vmem>> -> memref<1x128xi32, #tpu.memory_space<vmem>>
    %dma_start3A_30 = tpu.memref_squeeze %dma_start3A_29 : memref<1x128xi32, #tpu.memory_space<vmem>> -> memref<128xi32, #tpu.memory_space<vmem>>
    %dma_start3A_31 = tpu.memref_slice %arg2[%dma_start3A_26, %mul3A_2] : memref<4x4096xi32, #tpu.memory_space<hbm>> -> memref<1x128xi32, #tpu.memory_space<hbm>>
    %dma_start3A_32 = tpu.memref_squeeze %dma_start3A_31 : memref<1x128xi32, #tpu.memory_space<hbm>> -> memref<128xi32, #tpu.memory_space<hbm>>
    %dma_start3A_33 = arith.constant 0 : i32
    %dma_start3A_34 = tpu.memref_slice %arg6[%dma_start3A_27, %dma_start3A_33] : memref<4x128xi32, #tpu.memory_space<vmem>> -> memref<1x128xi32, #tpu.memory_space<vmem>>
    %dma_start3A_35 = tpu.memref_squeeze %dma_start3A_34 : memref<1x128xi32, #tpu.memory_space<vmem>> -> memref<128xi32, #tpu.memory_space<vmem>>
    %dma_start3A_36 = tpu.memref_slice %arg2[%dma_start3A_26, %mul3A_2] : memref<4x4096xi32, #tpu.memory_space<hbm>> -> memref<1x128xi32, #tpu.memory_space<hbm>>
    %dma_start3A_37 = tpu.memref_squeeze %dma_start3A_36 : memref<1x128xi32, #tpu.memory_space<hbm>> -> memref<128xi32, #tpu.memory_space<hbm>>
    tpu.enqueue_dma source(%dma_start3A_37 : memref<128xi32, #tpu.memory_space<hbm>>) target(%dma_start3A_35 : memref<128xi32, #tpu.memory_space<vmem>>) target_semaphore(%arg20 : memref<!tpu.dma_semaphore, #tpu.memory_space<semaphore_mem>>)
    %dma_start3A_38 = arith.constant 3 : i32
    %dma_start3A_39 = arith.constant 3 : i32
    %dma_start3A_40 = arith.constant 0 : i32
    %dma_start3A_41 = tpu.memref_slice %arg6[%dma_start3A_39, %dma_start3A_40] : memref<4x128xi32, #tpu.memory_space<vmem>> -> memref<1x128xi32, #tpu.memory_space<vmem>>
    %dma_start3A_42 = tpu.memref_squeeze %dma_start3A_41 : memref<1x128xi32, #tpu.memory_space<vmem>> -> memref<128xi32, #tpu.memory_space<vmem>>
    %dma_start3A_43 = tpu.memref_slice %arg2[%dma_start3A_38, %mul3A_2] : memref<4x4096xi32, #tpu.memory_space<hbm>> -> memref<1x128xi32, #tpu.memory_space<hbm>>
    %dma_start3A_44 = tpu.memref_squeeze %dma_start3A_43 : memref<1x128xi32, #tpu.memory_space<hbm>> -> memref<128xi32, #tpu.memory_space<hbm>>
    %dma_start3A_45 = arith.constant 0 : i32
    %dma_start3A_46 = tpu.memref_slice %arg6[%dma_start3A_39, %dma_start3A_45] : memref<4x128xi32, #tpu.memory_space<vmem>> -> memref<1x128xi32, #tpu.memory_space<vmem>>
    %dma_start3A_47 = tpu.memref_squeeze %dma_start3A_46 : memref<1x128xi32, #tpu.memory_space<vmem>> -> memref<128xi32, #tpu.memory_space<vmem>>
    %dma_start3A_48 = tpu.memref_slice %arg2[%dma_start3A_38, %mul3A_2] : memref<4x4096xi32, #tpu.memory_space<hbm>> -> memref<1x128xi32, #tpu.memory_space<hbm>>
    %dma_start3A_49 = tpu.memref_squeeze %dma_start3A_48 : memref<1x128xi32, #tpu.memory_space<hbm>> -> memref<128xi32, #tpu.memory_space<hbm>>
    tpu.enqueue_dma source(%dma_start3A_49 : memref<128xi32, #tpu.memory_space<hbm>>) target(%dma_start3A_47 : memref<128xi32, #tpu.memory_space<vmem>>) target_semaphore(%arg21 : memref<!tpu.dma_semaphore, #tpu.memory_space<semaphore_mem>>)
    %add3A_50 = arith.constant 0 : i32
    %add3A_51 = arith.addi %mul3A_2, %add3A_50 : i32
    %dma_start3A_52 = arith.constant 0 : i32
    %dma_start3A_53 = arith.constant 0 : i32
    %dma_start3A_54 = arith.constant 0 : i32
    %dma_start3A_55 = tpu.memref_slice %arg7[%dma_start3A_52, %dma_start3A_53, %dma_start3A_54] : memref<2x4x2048xf32, #tpu.memory_space<vmem>> -> memref<1x4x2048xf32, #tpu.memory_space<vmem>>
    %dma_start3A_56 = tpu.memref_squeeze %dma_start3A_55 : memref<1x4x2048xf32, #tpu.memory_space<vmem>> -> memref<4x2048xf32, #tpu.memory_space<vmem>>
    %dma_start3A_57 = arith.constant 0 : i32
    %dma_start3A_58 = tpu.memref_slice %arg4[%add3A_51, %dma_start3A_57] : memref<4096x2048xf32, #tpu.memory_space<hbm>> -> memref<4x2048xf32, #tpu.memory_space<hbm>>
    %dma_start3A_59 = arith.constant 0 : i32
    %dma_start3A_60 = arith.constant 0 : i32
    %dma_start3A_61 = tpu.memref_slice %arg7[%dma_start3A_52, %dma_start3A_59, %dma_start3A_60] : memref<2x4x2048xf32, #tpu.memory_space<vmem>> -> memref<1x4x2048xf32, #tpu.memory_space<vmem>>
    %dma_start3A_62 = tpu.memref_squeeze %dma_start3A_61 : memref<1x4x2048xf32, #tpu.memory_space<vmem>> -> memref<4x2048xf32, #tpu.memory_space<vmem>>
    %dma_start3A_63 = arith.constant 0 : i32
    %dma_start3A_64 = tpu.memref_slice %arg4[%add3A_51, %dma_start3A_63] : memref<4096x2048xf32, #tpu.memory_space<hbm>> -> memref<4x2048xf32, #tpu.memory_space<hbm>>
    tpu.enqueue_dma source(%dma_start3A_64 : memref<4x2048xf32, #tpu.memory_space<hbm>>) target(%dma_start3A_62 : memref<4x2048xf32, #tpu.memory_space<vmem>>) target_semaphore(%arg9 : memref<!tpu.dma_semaphore, #tpu.memory_space<semaphore_mem>>)
    %dma_wait3A = arith.constant 0 : i32
    %dma_wait3A_65 = arith.constant 0 : i32
    %dma_wait3A_66 = arith.constant 0 : i32
    %dma_wait3A_67 = tpu.memref_slice %arg6[%dma_wait3A_65, %dma_wait3A_66] : memref<4x128xi32, #tpu.memory_space<vmem>> -> memref<1x128xi32, #tpu.memory_space<vmem>>
    %dma_wait3A_68 = tpu.memref_squeeze %dma_wait3A_67 : memref<1x128xi32, #tpu.memory_space<vmem>> -> memref<128xi32, #tpu.memory_space<vmem>>
    %dma_wait3A_69 = arith.constant 0 : i32
    %dma_wait3A_70 = tpu.memref_slice %arg2[%dma_wait3A, %dma_wait3A_69] : memref<4x4096xi32, #tpu.memory_space<hbm>> -> memref<1x128xi32, #tpu.memory_space<hbm>>
    %dma_wait3A_71 = tpu.memref_squeeze %dma_wait3A_70 : memref<1x128xi32, #tpu.memory_space<hbm>> -> memref<128xi32, #tpu.memory_space<hbm>>
    %dma_wait3A_72 = arith.constant 0 : i32
    %dma_wait3A_73 = tpu.memref_slice %arg6[%dma_wait3A_65, %dma_wait3A_72] : memref<4x128xi32, #tpu.memory_space<vmem>> -> memref<1x128xi32, #tpu.memory_space<vmem>>
    %dma_wait3A_74 = tpu.memref_squeeze %dma_wait3A_73 : memref<1x128xi32, #tpu.memory_space<vmem>> -> memref<128xi32, #tpu.memory_space<vmem>>
    %dma_wait3A_75 = arith.constant 0 : i32
    %dma_wait3A_76 = tpu.memref_slice %arg2[%dma_wait3A, %dma_wait3A_75] : memref<4x4096xi32, #tpu.memory_space<hbm>> -> memref<1x128xi32, #tpu.memory_space<hbm>>
    %dma_wait3A_77 = tpu.memref_squeeze %dma_wait3A_76 : memref<1x128xi32, #tpu.memory_space<hbm>> -> memref<128xi32, #tpu.memory_space<hbm>>
    tpu.wait_dma2 semaphore(%arg18 : memref<!tpu.dma_semaphore, #tpu.memory_space<semaphore_mem>>) src(%dma_wait3A_77 : memref<128xi32, #tpu.memory_space<hbm>>) dst(%dma_wait3A_74 : memref<128xi32, #tpu.memory_space<vmem>>)
    %dma_wait3A_78 = arith.constant 0 : i32
    %dma_wait3A_79 = arith.constant 1 : i32
    %dma_wait3A_80 = arith.constant 0 : i32
    %dma_wait3A_81 = tpu.memref_slice %arg6[%dma_wait3A_79, %dma_wait3A_80] : memref<4x128xi32, #tpu.memory_space<vmem>> -> memref<1x128xi32, #tpu.memory_space<vmem>>
    %dma_wait3A_82 = tpu.memref_squeeze %dma_wait3A_81 : memref<1x128xi32, #tpu.memory_space<vmem>> -> memref<128xi32, #tpu.memory_space<vmem>>
    %dma_wait3A_83 = arith.constant 0 : i32
    %dma_wait3A_84 = tpu.memref_slice %arg2[%dma_wait3A_78, %dma_wait3A_83] : memref<4x4096xi32, #tpu.memory_space<hbm>> -> memref<1x128xi32, #tpu.memory_space<hbm>>
    %dma_wait3A_85 = tpu.memref_squeeze %dma_wait3A_84 : memref<1x128xi32, #tpu.memory_space<hbm>> -> memref<128xi32, #tpu.memory_space<hbm>>
    %dma_wait3A_86 = arith.constant 0 : i32
    %dma_wait3A_87 = tpu.memref_slice %arg6[%dma_wait3A_79, %dma_wait3A_86] : memref<4x128xi32, #tpu.memory_space<vmem>> -> memref<1x128xi32, #tpu.memory_space<vmem>>
    %dma_wait3A_88 = tpu.memref_squeeze %dma_wait3A_87 : memref<1x128xi32, #tpu.memory_space<vmem>> -> memref<128xi32, #tpu.memory_space<vmem>>
    %dma_wait3A_89 = arith.constant 0 : i32
    %dma_wait3A_90 = tpu.memref_slice %arg2[%dma_wait3A_78, %dma_wait3A_89] : memref<4x4096xi32, #tpu.memory_space<hbm>> -> memref<1x128xi32, #tpu.memory_space<hbm>>
    %dma_wait3A_91 = tpu.memref_squeeze %dma_wait3A_90 : memref<1x128xi32, #tpu.memory_space<hbm>> -> memref<128xi32, #tpu.memory_space<hbm>>
    tpu.wait_dma2 semaphore(%arg19 : memref<!tpu.dma_semaphore, #tpu.memory_space<semaphore_mem>>) src(%dma_wait3A_91 : memref<128xi32, #tpu.memory_space<hbm>>) dst(%dma_wait3A_88 : memref<128xi32, #tpu.memory_space<vmem>>)
    %dma_wait3A_92 = arith.constant 0 : i32
    %dma_wait3A_93 = arith.constant 2 : i32
    %dma_wait3A_94 = arith.constant 0 : i32
    %dma_wait3A_95 = tpu.memref_slice %arg6[%dma_wait3A_93, %dma_wait3A_94] : memref<4x128xi32, #tpu.memory_space<vmem>> -> memref<1x128xi32, #tpu.memory_space<vmem>>
    %dma_wait3A_96 = tpu.memref_squeeze %dma_wait3A_95 : memref<1x128xi32, #tpu.memory_space<vmem>> -> memref<128xi32, #tpu.memory_space<vmem>>
    %dma_wait3A_97 = arith.constant 0 : i32
    %dma_wait3A_98 = tpu.memref_slice %arg2[%dma_wait3A_92, %dma_wait3A_97] : memref<4x4096xi32, #tpu.memory_space<hbm>> -> memref<1x128xi32, #tpu.memory_space<hbm>>
    %dma_wait3A_99 = tpu.memref_squeeze %dma_wait3A_98 : memref<1x128xi32, #tpu.memory_space<hbm>> -> memref<128xi32, #tpu.memory_space<hbm>>
    %dma_wait3A_100 = arith.constant 0 : i32
    %dma_wait3A_101 = tpu.memref_slice %arg6[%dma_wait3A_93, %dma_wait3A_100] : memref<4x128xi32, #tpu.memory_space<vmem>> -> memref<1x128xi32, #tpu.memory_space<vmem>>
    %dma_wait3A_102 = tpu.memref_squeeze %dma_wait3A_101 : memref<1x128xi32, #tpu.memory_space<vmem>> -> memref<128xi32, #tpu.memory_space<vmem>>
    %dma_wait3A_103 = arith.constant 0 : i32
    %dma_wait3A_104 = tpu.memref_slice %arg2[%dma_wait3A_92, %dma_wait3A_103] : memref<4x4096xi32, #tpu.memory_space<hbm>> -> memref<1x128xi32, #tpu.memory_space<hbm>>
    %dma_wait3A_105 = tpu.memref_squeeze %dma_wait3A_104 : memref<1x128xi32, #tpu.memory_space<hbm>> -> memref<128xi32, #tpu.memory_space<hbm>>
    tpu.wait_dma2 semaphore(%arg20 : memref<!tpu.dma_semaphore, #tpu.memory_space<semaphore_mem>>) src(%dma_wait3A_105 : memref<128xi32, #tpu.memory_space<hbm>>) dst(%dma_wait3A_102 : memref<128xi32, #tpu.memory_space<vmem>>)
    %dma_wait3A_106 = arith.constant 0 : i32
    %dma_wait3A_107 = arith.constant 3 : i32
    %dma_wait3A_108 = arith.constant 0 : i32
    %dma_wait3A_109 = tpu.memref_slice %arg6[%dma_wait3A_107, %dma_wait3A_108] : memref<4x128xi32, #tpu.memory_space<vmem>> -> memref<1x128xi32, #tpu.memory_space<vmem>>
    %dma_wait3A_110 = tpu.memref_squeeze %dma_wait3A_109 : memref<1x128xi32, #tpu.memory_space<vmem>> -> memref<128xi32, #tpu.memory_space<vmem>>
    %dma_wait3A_111 = arith.constant 0 : i32
    %dma_wait3A_112 = tpu.memref_slice %arg2[%dma_wait3A_106, %dma_wait3A_111] : memref<4x4096xi32, #tpu.memory_space<hbm>> -> memref<1x128xi32, #tpu.memory_space<hbm>>
    %dma_wait3A_113 = tpu.memref_squeeze %dma_wait3A_112 : memref<1x128xi32, #tpu.memory_space<hbm>> -> memref<128xi32, #tpu.memory_space<hbm>>
    %dma_wait3A_114 = arith.constant 0 : i32
    %dma_wait3A_115 = tpu.memref_slice %arg6[%dma_wait3A_107, %dma_wait3A_114] : memref<4x128xi32, #tpu.memory_space<vmem>> -> memref<1x128xi32, #tpu.memory_space<vmem>>
    %dma_wait3A_116 = tpu.memref_squeeze %dma_wait3A_115 : memref<1x128xi32, #tpu.memory_space<vmem>> -> memref<128xi32, #tpu.memory_space<vmem>>
    %dma_wait3A_117 = arith.constant 0 : i32
    %dma_wait3A_118 = tpu.memref_slice %arg2[%dma_wait3A_106, %dma_wait3A_117] : memref<4x4096xi32, #tpu.memory_space<hbm>> -> memref<1x128xi32, #tpu.memory_space<hbm>>
    %dma_wait3A_119 = tpu.memref_squeeze %dma_wait3A_118 : memref<1x128xi32, #tpu.memory_space<hbm>> -> memref<128xi32, #tpu.memory_space<hbm>>
    tpu.wait_dma2 semaphore(%arg21 : memref<!tpu.dma_semaphore, #tpu.memory_space<semaphore_mem>>) src(%dma_wait3A_119 : memref<128xi32, #tpu.memory_space<hbm>>) dst(%dma_wait3A_116 : memref<128xi32, #tpu.memory_space<vmem>>)
    %dma_start3A_120 = arith.constant 0 : i32
    %dma_start3A_121 = arith.constant 0 : i32
    %dma_start3A_122 = arith.constant 0 : i32
    %dma_start3A_123 = arith.constant 0 : i32
    %dma_start3A_124 = tpu.memref_slice %arg8[%dma_start3A_121, %dma_start3A_122, %dma_start3A_123] : memref<8x4x2048xf32, #tpu.memory_space<vmem>> -> memref<1x4x2048xf32, #tpu.memory_space<vmem>>
    %dma_start3A_125 = tpu.memref_squeeze %dma_start3A_124 : memref<1x4x2048xf32, #tpu.memory_space<vmem>> -> memref<4x2048xf32, #tpu.memory_space<vmem>>
    %dma_start3A_126 = arith.constant 0 : i32
    %dma_start3A_127 = tpu.memref_slice %arg6[%dma_start3A_120, %dma_start3A_126] : memref<4x128xi32, #tpu.memory_space<vmem>> -> memref<1x4xi32, #tpu.memory_space<vmem>>
    %dma_start3A_128 = tpu.memref_squeeze %dma_start3A_127 : memref<1x4xi32, #tpu.memory_space<vmem>> -> memref<4xi32, #tpu.memory_space<vmem>>
    %dma_start3A_129 = arith.constant 0 : i32
    %dma_start3A_130 = arith.constant 0 : i32
    %dma_start3A_131 = tpu.memref_slice %arg3[%dma_start3A_129, %dma_start3A_130] : memref<100000x2048xf32, #tpu.memory_space<hbm>> -> memref<100000x2048xf32, #tpu.memory_space<hbm>>
    tpu.enqueue_indirect_dma source(%dma_start3A_131 : memref<100000x2048xf32, #tpu.memory_space<hbm>>) target(%dma_start3A_125 : memref<4x2048xf32, #tpu.memory_space<vmem>>) offsets(%dma_start3A_128 : memref<4xi32, #tpu.memory_space<vmem>>) semaphore(%arg10 : memref<!tpu.dma_semaphore, #tpu.memory_space<semaphore_mem>>)
    %dma_start3A_132 = arith.constant 1 : i32
    %dma_start3A_133 = arith.constant 1 : i32
    %dma_start3A_134 = arith.constant 0 : i32
    %dma_start3A_135 = arith.constant 0 : i32
    %dma_start3A_136 = tpu.memref_slice %arg8[%dma_start3A_133, %dma_start3A_134, %dma_start3A_135] : memref<8x4x2048xf32, #tpu.memory_space<vmem>> -> memref<1x4x2048xf32, #tpu.memory_space<vmem>>
    %dma_start3A_137 = tpu.memref_squeeze %dma_start3A_136 : memref<1x4x2048xf32, #tpu.memory_space<vmem>> -> memref<4x2048xf32, #tpu.memory_space<vmem>>
    %dma_start3A_138 = arith.constant 0 : i32
    %dma_start3A_139 = tpu.memref_slice %arg6[%dma_start3A_132, %dma_start3A_138] : memref<4x128xi32, #tpu.memory_space<vmem>> -> memref<1x4xi32, #tpu.memory_space<vmem>>
    %dma_start3A_140 = tpu.memref_squeeze %dma_start3A_139 : memref<1x4xi32, #tpu.memory_space<vmem>> -> memref<4xi32, #tpu.memory_space<vmem>>
    %dma_start3A_141 = arith.constant 0 : i32
    %dma_start3A_142 = arith.constant 0 : i32
    %dma_start3A_143 = tpu.memref_slice %arg3[%dma_start3A_141, %dma_start3A_142] : memref<100000x2048xf32, #tpu.memory_space<hbm>> -> memref<100000x2048xf32, #tpu.memory_space<hbm>>
    tpu.enqueue_indirect_dma source(%dma_start3A_143 : memref<100000x2048xf32, #tpu.memory_space<hbm>>) target(%dma_start3A_137 : memref<4x2048xf32, #tpu.memory_space<vmem>>) offsets(%dma_start3A_140 : memref<4xi32, #tpu.memory_space<vmem>>) semaphore(%arg11 : memref<!tpu.dma_semaphore, #tpu.memory_space<semaphore_mem>>)
    %dma_start3A_144 = arith.constant 2 : i32
    %dma_start3A_145 = arith.constant 2 : i32
    %dma_start3A_146 = arith.constant 0 : i32
    %dma_start3A_147 = arith.constant 0 : i32
    %dma_start3A_148 = tpu.memref_slice %arg8[%dma_start3A_145, %dma_start3A_146, %dma_start3A_147] : memref<8x4x2048xf32, #tpu.memory_space<vmem>> -> memref<1x4x2048xf32, #tpu.memory_space<vmem>>
    %dma_start3A_149 = tpu.memref_squeeze %dma_start3A_148 : memref<1x4x2048xf32, #tpu.memory_space<vmem>> -> memref<4x2048xf32, #tpu.memory_space<vmem>>
    %dma_start3A_150 = arith.constant 0 : i32
    %dma_start3A_151 = tpu.memref_slice %arg6[%dma_start3A_144, %dma_start3A_150] : memref<4x128xi32, #tpu.memory_space<vmem>> -> memref<1x4xi32, #tpu.memory_space<vmem>>
    %dma_start3A_152 = tpu.memref_squeeze %dma_start3A_151 : memref<1x4xi32, #tpu.memory_space<vmem>> -> memref<4xi32, #tpu.memory_space<vmem>>
    %dma_start3A_153 = arith.constant 0 : i32
    %dma_start3A_154 = arith.constant 0 : i32
    %dma_start3A_155 = tpu.memref_slice %arg3[%dma_start3A_153, %dma_start3A_154] : memref<100000x2048xf32, #tpu.memory_space<hbm>> -> memref<100000x2048xf32, #tpu.memory_space<hbm>>
    tpu.enqueue_indirect_dma source(%dma_start3A_155 : memref<100000x2048xf32, #tpu.memory_space<hbm>>) target(%dma_start3A_149 : memref<4x2048xf32, #tpu.memory_space<vmem>>) offsets(%dma_start3A_152 : memref<4xi32, #tpu.memory_space<vmem>>) semaphore(%arg12 : memref<!tpu.dma_semaphore, #tpu.memory_space<semaphore_mem>>)
    %dma_start3A_156 = arith.constant 3 : i32
    %dma_start3A_157 = arith.constant 3 : i32
    %dma_start3A_158 = arith.constant 0 : i32
    %dma_start3A_159 = arith.constant 0 : i32
    %dma_start3A_160 = tpu.memref_slice %arg8[%dma_start3A_157, %dma_start3A_158, %dma_start3A_159] : memref<8x4x2048xf32, #tpu.memory_space<vmem>> -> memref<1x4x2048xf32, #tpu.memory_space<vmem>>
    %dma_start3A_161 = tpu.memref_squeeze %dma_start3A_160 : memref<1x4x2048xf32, #tpu.memory_space<vmem>> -> memref<4x2048xf32, #tpu.memory_space<vmem>>
    %dma_start3A_162 = arith.constant 0 : i32
    %dma_start3A_163 = tpu.memref_slice %arg6[%dma_start3A_156, %dma_start3A_162] : memref<4x128xi32, #tpu.memory_space<vmem>> -> memref<1x4xi32, #tpu.memory_space<vmem>>
    %dma_start3A_164 = tpu.memref_squeeze %dma_start3A_163 : memref<1x4xi32, #tpu.memory_space<vmem>> -> memref<4xi32, #tpu.memory_space<vmem>>
    %dma_start3A_165 = arith.constant 0 : i32
    %dma_start3A_166 = arith.constant 0 : i32
    %dma_start3A_167 = tpu.memref_slice %arg3[%dma_start3A_165, %dma_start3A_166] : memref<100000x2048xf32, #tpu.memory_space<hbm>> -> memref<100000x2048xf32, #tpu.memory_space<hbm>>
    tpu.enqueue_indirect_dma source(%dma_start3A_167 : memref<100000x2048xf32, #tpu.memory_space<hbm>>) target(%dma_start3A_161 : memref<4x2048xf32, #tpu.memory_space<vmem>>) offsets(%dma_start3A_164 : memref<4xi32, #tpu.memory_space<vmem>>) semaphore(%arg13 : memref<!tpu.dma_semaphore, #tpu.memory_space<semaphore_mem>>)
    %scan3A = arith.constant 0 : i32
    %scan3A_168 = arith.constant 16 : i32
    %scan3A_169 = arith.addi %scan3A, %scan3A_168 : i32
    %scan3A_170 = arith.constant 1 : i32
    scf.for %scan3A_232 = %scan3A to %scan3A_169 step %scan3A_170  : i32 {
      %mul3A_233 = arith.constant 2 : i32
      %mul3A_234 = arith.muli %scan3A_232, %mul3A_233 : i32
      %add3A_235 = arith.constant 0 : i32
      %add3A_236 = arith.addi %add3A_235, %mul3A_234 : i32
      %add3A_237 = arith.constant 0 : i32
      %add3A_238 = arith.addi %add3A_236, %add3A_237 : i32
      %dma_wait3A_239 = arith.constant 0 : i32
      %dma_wait3A_240 = arith.constant 0 : i32
      %dma_wait3A_241 = arith.constant 0 : i32
      %dma_wait3A_242 = tpu.memref_slice %arg7[%dma_wait3A_239, %dma_wait3A_240, %dma_wait3A_241] : memref<2x4x2048xf32, #tpu.memory_space<vmem>> -> memref<1x4x2048xf32, #tpu.memory_space<vmem>>
      %dma_wait3A_243 = tpu.memref_squeeze %dma_wait3A_242 : memref<1x4x2048xf32, #tpu.memory_space<vmem>> -> memref<4x2048xf32, #tpu.memory_space<vmem>>
      %dma_wait3A_244 = arith.constant 0 : i32
      %dma_wait3A_245 = arith.constant 0 : i32
      %dma_wait3A_246 = tpu.memref_slice %arg4[%dma_wait3A_244, %dma_wait3A_245] : memref<4096x2048xf32, #tpu.memory_space<hbm>> -> memref<4x2048xf32, #tpu.memory_space<hbm>>
      %dma_wait3A_247 = arith.constant 0 : i32
      %dma_wait3A_248 = arith.constant 0 : i32
      %dma_wait3A_249 = tpu.memref_slice %arg7[%dma_wait3A_239, %dma_wait3A_247, %dma_wait3A_248] : memref<2x4x2048xf32, #tpu.memory_space<vmem>> -> memref<1x4x2048xf32, #tpu.memory_space<vmem>>
      %dma_wait3A_250 = tpu.memref_squeeze %dma_wait3A_249 : memref<1x4x2048xf32, #tpu.memory_space<vmem>> -> memref<4x2048xf32, #tpu.memory_space<vmem>>
      %dma_wait3A_251 = arith.constant 0 : i32
      %dma_wait3A_252 = arith.constant 0 : i32
      %dma_wait3A_253 = tpu.memref_slice %arg4[%dma_wait3A_251, %dma_wait3A_252] : memref<4096x2048xf32, #tpu.memory_space<hbm>> -> memref<4x2048xf32, #tpu.memory_space<hbm>>
      tpu.wait_dma2 semaphore(%arg9 : memref<!tpu.dma_semaphore, #tpu.memory_space<semaphore_mem>>) src(%dma_wait3A_253 : memref<4x2048xf32, #tpu.memory_space<hbm>>) dst(%dma_wait3A_250 : memref<4x2048xf32, #tpu.memory_space<vmem>>)
      %add3A_254 = arith.constant 1 : i32
      %add3A_255 = arith.addi %add3A_238, %add3A_254 : i32
      %lt3A = arith.constant 32 : i32
      %lt3A_256 = arith.cmpi slt, %add3A_255, %lt3A : i32
      %convert_element_type3A = arith.extui %lt3A_256 : i1 to i32
      %cond3A = arith.constant 0 : i32
      %cond3A_257 = arith.cmpi ne, %convert_element_type3A, %cond3A : i32
      scf.if %cond3A_257 {
        %add3A_680 = arith.constant 1 : i32
        %add3A_681 = arith.addi %add3A_238, %add3A_680 : i32
        %mul3A_682 = arith.constant 4 : i32
        %mul3A_683 = arith.muli %add3A_681, %mul3A_682 : i32
        %add3A_684 = arith.addi %mul3A_2, %mul3A_683 : i32
        %dma_start3A_685 = arith.constant 1 : i32
        %dma_start3A_686 = arith.constant 0 : i32
        %dma_start3A_687 = arith.constant 0 : i32
        %dma_start3A_688 = tpu.memref_slice %arg7[%dma_start3A_685, %dma_start3A_686, %dma_start3A_687] : memref<2x4x2048xf32, #tpu.memory_space<vmem>> -> memref<1x4x2048xf32, #tpu.memory_space<vmem>>
        %dma_start3A_689 = tpu.memref_squeeze %dma_start3A_688 : memref<1x4x2048xf32, #tpu.memory_space<vmem>> -> memref<4x2048xf32, #tpu.memory_space<vmem>>
        %dma_start3A_690 = arith.constant 0 : i32
        %dma_start3A_691 = tpu.memref_slice %arg4[%add3A_684, %dma_start3A_690] : memref<4096x2048xf32, #tpu.memory_space<hbm>> -> memref<4x2048xf32, #tpu.memory_space<hbm>>
        %dma_start3A_692 = arith.constant 0 : i32
        %dma_start3A_693 = arith.constant 0 : i32
        %dma_start3A_694 = tpu.memref_slice %arg7[%dma_start3A_685, %dma_start3A_692, %dma_start3A_693] : memref<2x4x2048xf32, #tpu.memory_space<vmem>> -> memref<1x4x2048xf32, #tpu.memory_space<vmem>>
        %dma_start3A_695 = tpu.memref_squeeze %dma_start3A_694 : memref<1x4x2048xf32, #tpu.memory_space<vmem>> -> memref<4x2048xf32, #tpu.memory_space<vmem>>
        %dma_start3A_696 = arith.constant 0 : i32
        %dma_start3A_697 = tpu.memref_slice %arg4[%add3A_684, %dma_start3A_696] : memref<4096x2048xf32, #tpu.memory_space<hbm>> -> memref<4x2048xf32, #tpu.memory_space<hbm>>
        tpu.enqueue_dma source(%dma_start3A_697 : memref<4x2048xf32, #tpu.memory_space<hbm>>) target(%dma_start3A_695 : memref<4x2048xf32, #tpu.memory_space<vmem>>) target_semaphore(%arg9 : memref<!tpu.dma_semaphore, #tpu.memory_space<semaphore_mem>>)
      } else {
      }
      %dma_wait3A_258 = arith.constant 0 : i32
      %dma_wait3A_259 = arith.constant 0 : i32
      %dma_wait3A_260 = arith.constant 0 : i32
      %dma_wait3A_261 = tpu.memref_slice %arg8[%dma_wait3A_258, %dma_wait3A_259, %dma_wait3A_260] : memref<8x4x2048xf32, #tpu.memory_space<vmem>> -> memref<1x4x2048xf32, #tpu.memory_space<vmem>>
      %dma_wait3A_262 = tpu.memref_squeeze %dma_wait3A_261 : memref<1x4x2048xf32, #tpu.memory_space<vmem>> -> memref<4x2048xf32, #tpu.memory_space<vmem>>
      %dma_wait3A_263 = arith.constant 0 : i32
      %dma_wait3A_264 = arith.constant 0 : i32
      %dma_wait3A_265 = tpu.memref_slice %arg4[%dma_wait3A_263, %dma_wait3A_264] : memref<4096x2048xf32, #tpu.memory_space<hbm>> -> memref<4x2048xf32, #tpu.memory_space<hbm>>
      %dma_wait3A_266 = arith.constant 0 : i32
      %dma_wait3A_267 = arith.constant 0 : i32
      %dma_wait3A_268 = tpu.memref_slice %arg8[%dma_wait3A_258, %dma_wait3A_266, %dma_wait3A_267] : memref<8x4x2048xf32, #tpu.memory_space<vmem>> -> memref<1x4x2048xf32, #tpu.memory_space<vmem>>
      %dma_wait3A_269 = tpu.memref_squeeze %dma_wait3A_268 : memref<1x4x2048xf32, #tpu.memory_space<vmem>> -> memref<4x2048xf32, #tpu.memory_space<vmem>>
      %dma_wait3A_270 = arith.constant 0 : i32
      %dma_wait3A_271 = arith.constant 0 : i32
      %dma_wait3A_272 = tpu.memref_slice %arg4[%dma_wait3A_270, %dma_wait3A_271] : memref<4096x2048xf32, #tpu.memory_space<hbm>> -> memref<4x2048xf32, #tpu.memory_space<hbm>>
      tpu.wait_dma2 semaphore(%arg10 : memref<!tpu.dma_semaphore, #tpu.memory_space<semaphore_mem>>) src(%dma_wait3A_272 : memref<4x2048xf32, #tpu.memory_space<hbm>>) dst(%dma_wait3A_269 : memref<4x2048xf32, #tpu.memory_space<vmem>>)
      %parallel_loop3A = arith.constant 0 : i32
      %parallel_loop3A_273 = arith.constant 512 : i32
      %parallel_loop3A_274 = arith.constant 1 : i32
      %parallel_loop3A_275 = arith.constant 0 : i32
      %parallel_loop3A_276 = arith.constant 0 : i32
      scf.for %parallel_loop3A_680 = %parallel_loop3A to %parallel_loop3A_273 step %parallel_loop3A_274  : i32 {
        %parallel_loop3A_681 = arith.constant 7 : i32
        %parallel_loop3A_682 = arith.shrui %parallel_loop3A_680, %parallel_loop3A_681 : i32
        %parallel_loop3A_683 = arith.constant 127 : i32
        %parallel_loop3A_684 = arith.andi %parallel_loop3A_680, %parallel_loop3A_683 : i32
        %parallel_loop3A_685 = arith.constant 4 : i32
        %parallel_loop3A_686 = arith.shli %parallel_loop3A_684, %parallel_loop3A_685 : i32
        %parallel_loop3A_687 = tpu.assume_multiple %parallel_loop3A_686, 16 : i32
        %parallel_loop3A_688 = arith.constant 0 : i32
        %parallel_loop3A_689 = arith.constant 0 : i32
        %parallel_loop3A_690 = tpu.memref_slice %arg7[%parallel_loop3A_275, %parallel_loop3A_688, %parallel_loop3A_689] : memref<2x4x2048xf32, #tpu.memory_space<vmem>> -> memref<1x4x2048xf32, #tpu.memory_space<vmem>>
        %parallel_loop3A_691 = tpu.memref_squeeze %parallel_loop3A_690 : memref<1x4x2048xf32, #tpu.memory_space<vmem>> -> memref<4x2048xf32, #tpu.memory_space<vmem>>
        %parallel_loop3A_692 = arith.index_cast %parallel_loop3A_682 : i32 to index
        %parallel_loop3A_693 = arith.index_cast %parallel_loop3A_687 : i32 to index
        %parallel_loop3A_694 = tpu.vector_load %parallel_loop3A_691[%parallel_loop3A_692, %parallel_loop3A_693] {strides = array<i32>} : memref<4x2048xf32, #tpu.memory_space<vmem>>, vector<1x16xf32>,
        %parallel_loop3A_695 = vector.shape_cast %parallel_loop3A_694 : vector<1x16xf32> to vector<16xf32>
        %parallel_loop3A_696 = arith.constant 0 : i32
        %parallel_loop3A_697 = arith.constant 0 : i32
        %parallel_loop3A_698 = tpu.memref_slice %arg8[%parallel_loop3A_276, %parallel_loop3A_696, %parallel_loop3A_697] : memref<8x4x2048xf32, #tpu.memory_space<vmem>> -> memref<1x4x2048xf32, #tpu.memory_space<vmem>>
        %parallel_loop3A_699 = tpu.memref_squeeze %parallel_loop3A_698 : memref<1x4x2048xf32, #tpu.memory_space<vmem>> -> memref<4x2048xf32, #tpu.memory_space<vmem>>
        %parallel_loop3A_700 = arith.index_cast %parallel_loop3A_682 : i32 to index
        %parallel_loop3A_701 = arith.index_cast %parallel_loop3A_687 : i32 to index
        %parallel_loop3A_702 = tpu.vector_load %parallel_loop3A_699[%parallel_loop3A_700, %parallel_loop3A_701] {strides = array<i32>} : memref<4x2048xf32, #tpu.memory_space<vmem>>, vector<1x16xf32>,
        %parallel_loop3A_703 = vector.shape_cast %parallel_loop3A_702 : vector<1x16xf32> to vector<16xf32>
        %parallel_loop3A_704 = vector.shape_cast %parallel_loop3A_695 : vector<16xf32> to vector<1x16xf32>
        tpu.vector_store %parallel_loop3A_699[%parallel_loop3A_700, %parallel_loop3A_701], %parallel_loop3A_704 {add = true, strides = array<i32>} : memref<4x2048xf32, #tpu.memory_space<vmem>>, vector<1x16xf32>,
      } {sc.loop_unroll_factor = 8 : i64, sc.parallel_access}
      %add3A_277 = arith.constant 0 : i32
      %add3A_278 = arith.addi %add3A_277, %mul3A_2 : i32
      %mul3A_279 = arith.constant 4 : i32
      %mul3A_280 = arith.muli %add3A_238, %mul3A_279 : i32
      %add3A_281 = arith.addi %add3A_278, %mul3A_280 : i32
      %dma_start3A_282 = arith.constant 0 : i32
      %dma_start3A_283 = arith.constant 0 : i32
      %dma_start3A_284 = arith.constant 0 : i32
      %dma_start3A_285 = tpu.memref_slice %arg8[%dma_start3A_282, %dma_start3A_283, %dma_start3A_284] : memref<8x4x2048xf32, #tpu.memory_space<vmem>> -> memref<1x4x2048xf32, #tpu.memory_space<vmem>>
      %dma_start3A_286 = tpu.memref_squeeze %dma_start3A_285 : memref<1x4x2048xf32, #tpu.memory_space<vmem>> -> memref<4x2048xf32, #tpu.memory_space<vmem>>
      %dma_start3A_287 = arith.constant 0 : i32
      %dma_start3A_288 = tpu.memref_slice %arg5[%add3A_281, %dma_start3A_287] : memref<16384x2048xf32, #tpu.memory_space<hbm>> -> memref<4x2048xf32, #tpu.memory_space<hbm>>
      %dma_start3A_289 = arith.constant 0 : i32
      %dma_start3A_290 = tpu.memref_slice %arg5[%add3A_281, %dma_start3A_289] : memref<16384x2048xf32, #tpu.memory_space<hbm>> -> memref<4x2048xf32, #tpu.memory_space<hbm>>
      %dma_start3A_291 = arith.constant 0 : i32
      %dma_start3A_292 = arith.constant 0 : i32
      %dma_start3A_293 = tpu.memref_slice %arg8[%dma_start3A_282, %dma_start3A_291, %dma_start3A_292] : memref<8x4x2048xf32, #tpu.memory_space<vmem>> -> memref<1x4x2048xf32, #tpu.memory_space<vmem>>
      %dma_start3A_294 = tpu.memref_squeeze %dma_start3A_293 : memref<1x4x2048xf32, #tpu.memory_space<vmem>> -> memref<4x2048xf32, #tpu.memory_space<vmem>>
      tpu.enqueue_dma source(%dma_start3A_294 : memref<4x2048xf32, #tpu.memory_space<vmem>>) target(%dma_start3A_290 : memref<4x2048xf32, #tpu.memory_space<hbm>>) target_semaphore(%arg18 : memref<!tpu.dma_semaphore, #tpu.memory_space<semaphore_mem>>)
      %ge3A = arith.constant 1 : i32
      %ge3A_295 = arith.cmpi sge, %add3A_238, %ge3A : i32
      %convert_element_type3A_296 = arith.extui %ge3A_295 : i1 to i32
      %cond3A_297 = arith.constant 0 : i32
      %cond3A_298 = arith.cmpi ne, %convert_element_type3A_296, %cond3A_297 : i32
      scf.if %cond3A_298 {
        %dma_wait3A_680 = arith.constant 4 : i32
        %dma_wait3A_681 = arith.constant 0 : i32
        %dma_wait3A_682 = arith.constant 0 : i32
        %dma_wait3A_683 = tpu.memref_slice %arg8[%dma_wait3A_680, %dma_wait3A_681, %dma_wait3A_682] : memref<8x4x2048xf32, #tpu.memory_space<vmem>> -> memref<1x4x2048xf32, #tpu.memory_space<vmem>>
        %dma_wait3A_684 = tpu.memref_squeeze %dma_wait3A_683 : memref<1x4x2048xf32, #tpu.memory_space<vmem>> -> memref<4x2048xf32, #tpu.memory_space<vmem>>
        %dma_wait3A_685 = arith.constant 0 : i32
        %dma_wait3A_686 = arith.constant 0 : i32
        %dma_wait3A_687 = tpu.memref_slice %arg4[%dma_wait3A_685, %dma_wait3A_686] : memref<4096x2048xf32, #tpu.memory_space<hbm>> -> memref<4x2048xf32, #tpu.memory_space<hbm>>
        %dma_wait3A_688 = arith.constant 0 : i32
        %dma_wait3A_689 = arith.constant 0 : i32
        %dma_wait3A_690 = tpu.memref_slice %arg8[%dma_wait3A_680, %dma_wait3A_688, %dma_wait3A_689] : memref<8x4x2048xf32, #tpu.memory_space<vmem>> -> memref<1x4x2048xf32, #tpu.memory_space<vmem>>
        %dma_wait3A_691 = tpu.memref_squeeze %dma_wait3A_690 : memref<1x4x2048xf32, #tpu.memory_space<vmem>> -> memref<4x2048xf32, #tpu.memory_space<vmem>>
        %dma_wait3A_692 = arith.constant 0 : i32
        %dma_wait3A_693 = arith.constant 0 : i32
        %dma_wait3A_694 = tpu.memref_slice %arg4[%dma_wait3A_692, %dma_wait3A_693] : memref<4096x2048xf32, #tpu.memory_space<hbm>> -> memref<4x2048xf32, #tpu.memory_space<hbm>>
        tpu.wait_dma2 semaphore(%arg22 : memref<!tpu.dma_semaphore, #tpu.memory_space<semaphore_mem>>) src(%dma_wait3A_694 : memref<4x2048xf32, #tpu.memory_space<hbm>>) dst(%dma_wait3A_691 : memref<4x2048xf32, #tpu.memory_space<vmem>>)
      } else {
      }
      %add3A_299 = arith.constant 1 : i32
      %add3A_300 = arith.addi %add3A_238, %add3A_299 : i32
      %lt3A_301 = arith.constant 32 : i32
      %lt3A_302 = arith.cmpi slt, %add3A_300, %lt3A_301 : i32
      %convert_element_type3A_303 = arith.extui %lt3A_302 : i1 to i32
      %cond3A_304 = arith.constant 0 : i32
      %cond3A_305 = arith.cmpi ne, %convert_element_type3A_303, %cond3A_304 : i32
      scf.if %cond3A_305 {
        %add3A_680 = arith.constant 1 : i32
        %add3A_681 = arith.addi %add3A_238, %add3A_680 : i32
        %mul3A_682 = arith.constant 4 : i32
        %mul3A_683 = arith.muli %add3A_681, %mul3A_682 : i32
        %dma_start3A_684 = arith.constant 0 : i32
        %dma_start3A_685 = arith.constant 4 : i32
        %dma_start3A_686 = arith.constant 0 : i32
        %dma_start3A_687 = arith.constant 0 : i32
        %dma_start3A_688 = tpu.memref_slice %arg8[%dma_start3A_685, %dma_start3A_686, %dma_start3A_687] : memref<8x4x2048xf32, #tpu.memory_space<vmem>> -> memref<1x4x2048xf32, #tpu.memory_space<vmem>>
        %dma_start3A_689 = tpu.memref_squeeze %dma_start3A_688 : memref<1x4x2048xf32, #tpu.memory_space<vmem>> -> memref<4x2048xf32, #tpu.memory_space<vmem>>
        %dma_start3A_690 = tpu.memref_slice %arg6[%dma_start3A_684, %mul3A_683] : memref<4x128xi32, #tpu.memory_space<vmem>> -> memref<1x4xi32, #tpu.memory_space<vmem>>
        %dma_start3A_691 = tpu.memref_squeeze %dma_start3A_690 : memref<1x4xi32, #tpu.memory_space<vmem>> -> memref<4xi32, #tpu.memory_space<vmem>>
        %dma_start3A_692 = arith.constant 0 : i32
        %dma_start3A_693 = arith.constant 0 : i32
        %dma_start3A_694 = tpu.memref_slice %arg3[%dma_start3A_692, %dma_start3A_693] : memref<100000x2048xf32, #tpu.memory_space<hbm>> -> memref<100000x2048xf32, #tpu.memory_space<hbm>>
        tpu.enqueue_indirect_dma source(%dma_start3A_694 : memref<100000x2048xf32, #tpu.memory_space<hbm>>) target(%dma_start3A_689 : memref<4x2048xf32, #tpu.memory_space<vmem>>) offsets(%dma_start3A_691 : memref<4xi32, #tpu.memory_space<vmem>>) semaphore(%arg14 : memref<!tpu.dma_semaphore, #tpu.memory_space<semaphore_mem>>)
      } else {
      }
      %dma_wait3A_306 = arith.constant 1 : i32
      %dma_wait3A_307 = arith.constant 0 : i32
      %dma_wait3A_308 = arith.constant 0 : i32
      %dma_wait3A_309 = tpu.memref_slice %arg8[%dma_wait3A_306, %dma_wait3A_307, %dma_wait3A_308] : memref<8x4x2048xf32, #tpu.memory_space<vmem>> -> memref<1x4x2048xf32, #tpu.memory_space<vmem>>
      %dma_wait3A_310 = tpu.memref_squeeze %dma_wait3A_309 : memref<1x4x2048xf32, #tpu.memory_space<vmem>> -> memref<4x2048xf32, #tpu.memory_space<vmem>>
      %dma_wait3A_311 = arith.constant 0 : i32
      %dma_wait3A_312 = arith.constant 0 : i32
      %dma_wait3A_313 = tpu.memref_slice %arg4[%dma_wait3A_311, %dma_wait3A_312] : memref<4096x2048xf32, #tpu.memory_space<hbm>> -> memref<4x2048xf32, #tpu.memory_space<hbm>>
      %dma_wait3A_314 = arith.constant 0 : i32
      %dma_wait3A_315 = arith.constant 0 : i32
      %dma_wait3A_316 = tpu.memref_slice %arg8[%dma_wait3A_306, %dma_wait3A_314, %dma_wait3A_315] : memref<8x4x2048xf32, #tpu.memory_space<vmem>> -> memref<1x4x2048xf32, #tpu.memory_space<vmem>>
      %dma_wait3A_317 = tpu.memref_squeeze %dma_wait3A_316 : memref<1x4x2048xf32, #tpu.memory_space<vmem>> -> memref<4x2048xf32, #tpu.memory_space<vmem>>
      %dma_wait3A_318 = arith.constant 0 : i32
      %dma_wait3A_319 = arith.constant 0 : i32
      %dma_wait3A_320 = tpu.memref_slice %arg4[%dma_wait3A_318, %dma_wait3A_319] : memref<4096x2048xf32, #tpu.memory_space<hbm>> -> memref<4x2048xf32, #tpu.memory_space<hbm>>
      tpu.wait_dma2 semaphore(%arg11 : memref<!tpu.dma_semaphore, #tpu.memory_space<semaphore_mem>>) src(%dma_wait3A_320 : memref<4x2048xf32, #tpu.memory_space<hbm>>) dst(%dma_wait3A_317 : memref<4x2048xf32, #tpu.memory_space<vmem>>)
      %parallel_loop3A_321 = arith.constant 0 : i32
      %parallel_loop3A_322 = arith.constant 512 : i32
      %parallel_loop3A_323 = arith.constant 1 : i32
      %parallel_loop3A_324 = arith.constant 0 : i32
      %parallel_loop3A_325 = arith.constant 1 : i32
      scf.for %parallel_loop3A_680 = %parallel_loop3A_321 to %parallel_loop3A_322 step %parallel_loop3A_323  : i32 {
        %parallel_loop3A_681 = arith.constant 7 : i32
        %parallel_loop3A_682 = arith.shrui %parallel_loop3A_680, %parallel_loop3A_681 : i32
        %parallel_loop3A_683 = arith.constant 127 : i32
        %parallel_loop3A_684 = arith.andi %parallel_loop3A_680, %parallel_loop3A_683 : i32
        %parallel_loop3A_685 = arith.constant 4 : i32
        %parallel_loop3A_686 = arith.shli %parallel_loop3A_684, %parallel_loop3A_685 : i32
        %parallel_loop3A_687 = tpu.assume_multiple %parallel_loop3A_686, 16 : i32
        %parallel_loop3A_688 = arith.constant 0 : i32
        %parallel_loop3A_689 = arith.constant 0 : i32
        %parallel_loop3A_690 = tpu.memref_slice %arg7[%parallel_loop3A_324, %parallel_loop3A_688, %parallel_loop3A_689] : memref<2x4x2048xf32, #tpu.memory_space<vmem>> -> memref<1x4x2048xf32, #tpu.memory_space<vmem>>
        %parallel_loop3A_691 = tpu.memref_squeeze %parallel_loop3A_690 : memref<1x4x2048xf32, #tpu.memory_space<vmem>> -> memref<4x2048xf32, #tpu.memory_space<vmem>>
        %parallel_loop3A_692 = arith.index_cast %parallel_loop3A_682 : i32 to index
        %parallel_loop3A_693 = arith.index_cast %parallel_loop3A_687 : i32 to index
        %parallel_loop3A_694 = tpu.vector_load %parallel_loop3A_691[%parallel_loop3A_692, %parallel_loop3A_693] {strides = array<i32>} : memref<4x2048xf32, #tpu.memory_space<vmem>>, vector<1x16xf32>,
        %parallel_loop3A_695 = vector.shape_cast %parallel_loop3A_694 : vector<1x16xf32> to vector<16xf32>
        %parallel_loop3A_696 = arith.constant 0 : i32
        %parallel_loop3A_697 = arith.constant 0 : i32
        %parallel_loop3A_698 = tpu.memref_slice %arg8[%parallel_loop3A_325, %parallel_loop3A_696, %parallel_loop3A_697] : memref<8x4x2048xf32, #tpu.memory_space<vmem>> -> memref<1x4x2048xf32, #tpu.memory_space<vmem>>
        %parallel_loop3A_699 = tpu.memref_squeeze %parallel_loop3A_698 : memref<1x4x2048xf32, #tpu.memory_space<vmem>> -> memref<4x2048xf32, #tpu.memory_space<vmem>>
        %parallel_loop3A_700 = arith.index_cast %parallel_loop3A_682 : i32 to index
        %parallel_loop3A_701 = arith.index_cast %parallel_loop3A_687 : i32 to index
        %parallel_loop3A_702 = tpu.vector_load %parallel_loop3A_699[%parallel_loop3A_700, %parallel_loop3A_701] {strides = array<i32>} : memref<4x2048xf32, #tpu.memory_space<vmem>>, vector<1x16xf32>,
        %parallel_loop3A_703 = vector.shape_cast %parallel_loop3A_702 : vector<1x16xf32> to vector<16xf32>
        %parallel_loop3A_704 = vector.shape_cast %parallel_loop3A_695 : vector<16xf32> to vector<1x16xf32>
        tpu.vector_store %parallel_loop3A_699[%parallel_loop3A_700, %parallel_loop3A_701], %parallel_loop3A_704 {add = true, strides = array<i32>} : memref<4x2048xf32, #tpu.memory_space<vmem>>, vector<1x16xf32>,
      } {sc.loop_unroll_factor = 8 : i64, sc.parallel_access}
      %add3A_326 = arith.constant 4096 : i32
      %add3A_327 = arith.addi %add3A_326, %mul3A_2 : i32
      %mul3A_328 = arith.constant 4 : i32
      %mul3A_329 = arith.muli %add3A_238, %mul3A_328 : i32
      %add3A_330 = arith.addi %add3A_327, %mul3A_329 : i32
      %dma_start3A_331 = arith.constant 1 : i32
      %dma_start3A_332 = arith.constant 0 : i32
      %dma_start3A_333 = arith.constant 0 : i32
      %dma_start3A_334 = tpu.memref_slice %arg8[%dma_start3A_331, %dma_start3A_332, %dma_start3A_333] : memref<8x4x2048xf32, #tpu.memory_space<vmem>> -> memref<1x4x2048xf32, #tpu.memory_space<vmem>>
      %dma_start3A_335 = tpu.memref_squeeze %dma_start3A_334 : memref<1x4x2048xf32, #tpu.memory_space<vmem>> -> memref<4x2048xf32, #tpu.memory_space<vmem>>
      %dma_start3A_336 = arith.constant 0 : i32
      %dma_start3A_337 = tpu.memref_slice %arg5[%add3A_330, %dma_start3A_336] : memref<16384x2048xf32, #tpu.memory_space<hbm>> -> memref<4x2048xf32, #tpu.memory_space<hbm>>
      %dma_start3A_338 = arith.constant 0 : i32
      %dma_start3A_339 = tpu.memref_slice %arg5[%add3A_330, %dma_start3A_338] : memref<16384x2048xf32, #tpu.memory_space<hbm>> -> memref<4x2048xf32, #tpu.memory_space<hbm>>
      %dma_start3A_340 = arith.constant 0 : i32
      %dma_start3A_341 = arith.constant 0 : i32
      %dma_start3A_342 = tpu.memref_slice %arg8[%dma_start3A_331, %dma_start3A_340, %dma_start3A_341] : memref<8x4x2048xf32, #tpu.memory_space<vmem>> -> memref<1x4x2048xf32, #tpu.memory_space<vmem>>
      %dma_start3A_343 = tpu.memref_squeeze %dma_start3A_342 : memref<1x4x2048xf32, #tpu.memory_space<vmem>> -> memref<4x2048xf32, #tpu.memory_space<vmem>>
      tpu.enqueue_dma source(%dma_start3A_343 : memref<4x2048xf32, #tpu.memory_space<vmem>>) target(%dma_start3A_339 : memref<4x2048xf32, #tpu.memory_space<hbm>>) target_semaphore(%arg19 : memref<!tpu.dma_semaphore, #tpu.memory_space<semaphore_mem>>)
      %ge3A_344 = arith.constant 1 : i32
      %ge3A_345 = arith.cmpi sge, %add3A_238, %ge3A_344 : i32
      %convert_element_type3A_346 = arith.extui %ge3A_345 : i1 to i32
      %cond3A_347 = arith.constant 0 : i32
      %cond3A_348 = arith.cmpi ne, %convert_element_type3A_346, %cond3A_347 : i32
      scf.if %cond3A_348 {
        %dma_wait3A_680 = arith.constant 5 : i32
        %dma_wait3A_681 = arith.constant 0 : i32
        %dma_wait3A_682 = arith.constant 0 : i32
        %dma_wait3A_683 = tpu.memref_slice %arg8[%dma_wait3A_680, %dma_wait3A_681, %dma_wait3A_682] : memref<8x4x2048xf32, #tpu.memory_space<vmem>> -> memref<1x4x2048xf32, #tpu.memory_space<vmem>>
        %dma_wait3A_684 = tpu.memref_squeeze %dma_wait3A_683 : memref<1x4x2048xf32, #tpu.memory_space<vmem>> -> memref<4x2048xf32, #tpu.memory_space<vmem>>
        %dma_wait3A_685 = arith.constant 0 : i32
        %dma_wait3A_686 = arith.constant 0 : i32
        %dma_wait3A_687 = tpu.memref_slice %arg4[%dma_wait3A_685, %dma_wait3A_686] : memref<4096x2048xf32, #tpu.memory_space<hbm>> -> memref<4x2048xf32, #tpu.memory_space<hbm>>
        %dma_wait3A_688 = arith.constant 0 : i32
        %dma_wait3A_689 = arith.constant 0 : i32
        %dma_wait3A_690 = tpu.memref_slice %arg8[%dma_wait3A_680, %dma_wait3A_688, %dma_wait3A_689] : memref<8x4x2048xf32, #tpu.memory_space<vmem>> -> memref<1x4x2048xf32, #tpu.memory_space<vmem>>
        %dma_wait3A_691 = tpu.memref_squeeze %dma_wait3A_690 : memref<1x4x2048xf32, #tpu.memory_space<vmem>> -> memref<4x2048xf32, #tpu.memory_space<vmem>>
        %dma_wait3A_692 = arith.constant 0 : i32
        %dma_wait3A_693 = arith.constant 0 : i32
        %dma_wait3A_694 = tpu.memref_slice %arg4[%dma_wait3A_692, %dma_wait3A_693] : memref<4096x2048xf32, #tpu.memory_space<hbm>> -> memref<4x2048xf32, #tpu.memory_space<hbm>>
        tpu.wait_dma2 semaphore(%arg23 : memref<!tpu.dma_semaphore, #tpu.memory_space<semaphore_mem>>) src(%dma_wait3A_694 : memref<4x2048xf32, #tpu.memory_space<hbm>>) dst(%dma_wait3A_691 : memref<4x2048xf32, #tpu.memory_space<vmem>>)
      } else {
      }
      %add3A_349 = arith.constant 1 : i32
      %add3A_350 = arith.addi %add3A_238, %add3A_349 : i32
      %lt3A_351 = arith.constant 32 : i32
      %lt3A_352 = arith.cmpi slt, %add3A_350, %lt3A_351 : i32
      %convert_element_type3A_353 = arith.extui %lt3A_352 : i1 to i32
      %cond3A_354 = arith.constant 0 : i32
      %cond3A_355 = arith.cmpi ne, %convert_element_type3A_353, %cond3A_354 : i32
      scf.if %cond3A_355 {
        %add3A_680 = arith.constant 1 : i32
        %add3A_681 = arith.addi %add3A_238, %add3A_680 : i32
        %mul3A_682 = arith.constant 4 : i32
        %mul3A_683 = arith.muli %add3A_681, %mul3A_682 : i32
        %dma_start3A_684 = arith.constant 1 : i32
        %dma_start3A_685 = arith.constant 5 : i32
        %dma_start3A_686 = arith.constant 0 : i32
        %dma_start3A_687 = arith.constant 0 : i32
        %dma_start3A_688 = tpu.memref_slice %arg8[%dma_start3A_685, %dma_start3A_686, %dma_start3A_687] : memref<8x4x2048xf32, #tpu.memory_space<vmem>> -> memref<1x4x2048xf32, #tpu.memory_space<vmem>>
        %dma_start3A_689 = tpu.memref_squeeze %dma_start3A_688 : memref<1x4x2048xf32, #tpu.memory_space<vmem>> -> memref<4x2048xf32, #tpu.memory_space<vmem>>
        %dma_start3A_690 = tpu.memref_slice %arg6[%dma_start3A_684, %mul3A_683] : memref<4x128xi32, #tpu.memory_space<vmem>> -> memref<1x4xi32, #tpu.memory_space<vmem>>
        %dma_start3A_691 = tpu.memref_squeeze %dma_start3A_690 : memref<1x4xi32, #tpu.memory_space<vmem>> -> memref<4xi32, #tpu.memory_space<vmem>>
        %dma_start3A_692 = arith.constant 0 : i32
        %dma_start3A_693 = arith.constant 0 : i32
        %dma_start3A_694 = tpu.memref_slice %arg3[%dma_start3A_692, %dma_start3A_693] : memref<100000x2048xf32, #tpu.memory_space<hbm>> -> memref<100000x2048xf32, #tpu.memory_space<hbm>>
        tpu.enqueue_indirect_dma source(%dma_start3A_694 : memref<100000x2048xf32, #tpu.memory_space<hbm>>) target(%dma_start3A_689 : memref<4x2048xf32, #tpu.memory_space<vmem>>) offsets(%dma_start3A_691 : memref<4xi32, #tpu.memory_space<vmem>>) semaphore(%arg15 : memref<!tpu.dma_semaphore, #tpu.memory_space<semaphore_mem>>)
      } else {
      }
      %dma_wait3A_356 = arith.constant 2 : i32
      %dma_wait3A_357 = arith.constant 0 : i32
      %dma_wait3A_358 = arith.constant 0 : i32
      %dma_wait3A_359 = tpu.memref_slice %arg8[%dma_wait3A_356, %dma_wait3A_357, %dma_wait3A_358] : memref<8x4x2048xf32, #tpu.memory_space<vmem>> -> memref<1x4x2048xf32, #tpu.memory_space<vmem>>
      %dma_wait3A_360 = tpu.memref_squeeze %dma_wait3A_359 : memref<1x4x2048xf32, #tpu.memory_space<vmem>> -> memref<4x2048xf32, #tpu.memory_space<vmem>>
      %dma_wait3A_361 = arith.constant 0 : i32
      %dma_wait3A_362 = arith.constant 0 : i32
      %dma_wait3A_363 = tpu.memref_slice %arg4[%dma_wait3A_361, %dma_wait3A_362] : memref<4096x2048xf32, #tpu.memory_space<hbm>> -> memref<4x2048xf32, #tpu.memory_space<hbm>>
      %dma_wait3A_364 = arith.constant 0 : i32
      %dma_wait3A_365 = arith.constant 0 : i32
      %dma_wait3A_366 = tpu.memref_slice %arg8[%dma_wait3A_356, %dma_wait3A_364, %dma_wait3A_365] : memref<8x4x2048xf32, #tpu.memory_space<vmem>> -> memref<1x4x2048xf32, #tpu.memory_space<vmem>>
      %dma_wait3A_367 = tpu.memref_squeeze %dma_wait3A_366 : memref<1x4x2048xf32, #tpu.memory_space<vmem>> -> memref<4x2048xf32, #tpu.memory_space<vmem>>
      %dma_wait3A_368 = arith.constant 0 : i32
      %dma_wait3A_369 = arith.constant 0 : i32
      %dma_wait3A_370 = tpu.memref_slice %arg4[%dma_wait3A_368, %dma_wait3A_369] : memref<4096x2048xf32, #tpu.memory_space<hbm>> -> memref<4x2048xf32, #tpu.memory_space<hbm>>
      tpu.wait_dma2 semaphore(%arg12 : memref<!tpu.dma_semaphore, #tpu.memory_space<semaphore_mem>>) src(%dma_wait3A_370 : memref<4x2048xf32, #tpu.memory_space<hbm>>) dst(%dma_wait3A_367 : memref<4x2048xf32, #tpu.memory_space<vmem>>)
      %parallel_loop3A_371 = arith.constant 0 : i32
      %parallel_loop3A_372 = arith.constant 512 : i32
      %parallel_loop3A_373 = arith.constant 1 : i32
      %parallel_loop3A_374 = arith.constant 0 : i32
      %parallel_loop3A_375 = arith.constant 2 : i32
      scf.for %parallel_loop3A_680 = %parallel_loop3A_371 to %parallel_loop3A_372 step %parallel_loop3A_373  : i32 {
        %parallel_loop3A_681 = arith.constant 7 : i32
        %parallel_loop3A_682 = arith.shrui %parallel_loop3A_680, %parallel_loop3A_681 : i32
        %parallel_loop3A_683 = arith.constant 127 : i32
        %parallel_loop3A_684 = arith.andi %parallel_loop3A_680, %parallel_loop3A_683 : i32
        %parallel_loop3A_685 = arith.constant 4 : i32
        %parallel_loop3A_686 = arith.shli %parallel_loop3A_684, %parallel_loop3A_685 : i32
        %parallel_loop3A_687 = tpu.assume_multiple %parallel_loop3A_686, 16 : i32
        %parallel_loop3A_688 = arith.constant 0 : i32
        %parallel_loop3A_689 = arith.constant 0 : i32
        %parallel_loop3A_690 = tpu.memref_slice %arg7[%parallel_loop3A_374, %parallel_loop3A_688, %parallel_loop3A_689] : memref<2x4x2048xf32, #tpu.memory_space<vmem>> -> memref<1x4x2048xf32, #tpu.memory_space<vmem>>
        %parallel_loop3A_691 = tpu.memref_squeeze %parallel_loop3A_690 : memref<1x4x2048xf32, #tpu.memory_space<vmem>> -> memref<4x2048xf32, #tpu.memory_space<vmem>>
        %parallel_loop3A_692 = arith.index_cast %parallel_loop3A_682 : i32 to index
        %parallel_loop3A_693 = arith.index_cast %parallel_loop3A_687 : i32 to index
        %parallel_loop3A_694 = tpu.vector_load %parallel_loop3A_691[%parallel_loop3A_692, %parallel_loop3A_693] {strides = array<i32>} : memref<4x2048xf32, #tpu.memory_space<vmem>>, vector<1x16xf32>,
        %parallel_loop3A_695 = vector.shape_cast %parallel_loop3A_694 : vector<1x16xf32> to vector<16xf32>
        %parallel_loop3A_696 = arith.constant 0 : i32
        %parallel_loop3A_697 = arith.constant 0 : i32
        %parallel_loop3A_698 = tpu.memref_slice %arg8[%parallel_loop3A_375, %parallel_loop3A_696, %parallel_loop3A_697] : memref<8x4x2048xf32, #tpu.memory_space<vmem>> -> memref<1x4x2048xf32, #tpu.memory_space<vmem>>
        %parallel_loop3A_699 = tpu.memref_squeeze %parallel_loop3A_698 : memref<1x4x2048xf32, #tpu.memory_space<vmem>> -> memref<4x2048xf32, #tpu.memory_space<vmem>>
        %parallel_loop3A_700 = arith.index_cast %parallel_loop3A_682 : i32 to index
        %parallel_loop3A_701 = arith.index_cast %parallel_loop3A_687 : i32 to index
        %parallel_loop3A_702 = tpu.vector_load %parallel_loop3A_699[%parallel_loop3A_700, %parallel_loop3A_701] {strides = array<i32>} : memref<4x2048xf32, #tpu.memory_space<vmem>>, vector<1x16xf32>,
        %parallel_loop3A_703 = vector.shape_cast %parallel_loop3A_702 : vector<1x16xf32> to vector<16xf32>
        %parallel_loop3A_704 = vector.shape_cast %parallel_loop3A_695 : vector<16xf32> to vector<1x16xf32>
        tpu.vector_store %parallel_loop3A_699[%parallel_loop3A_700, %parallel_loop3A_701], %parallel_loop3A_704 {add = true, strides = array<i32>} : memref<4x2048xf32, #tpu.memory_space<vmem>>, vector<1x16xf32>,
      } {sc.loop_unroll_factor = 8 : i64, sc.parallel_access}
      %add3A_376 = arith.constant 8192 : i32
      %add3A_377 = arith.addi %add3A_376, %mul3A_2 : i32
      %mul3A_378 = arith.constant 4 : i32
      %mul3A_379 = arith.muli %add3A_238, %mul3A_378 : i32
      %add3A_380 = arith.addi %add3A_377, %mul3A_379 : i32
      %dma_start3A_381 = arith.constant 2 : i32
      %dma_start3A_382 = arith.constant 0 : i32
      %dma_start3A_383 = arith.constant 0 : i32
      %dma_start3A_384 = tpu.memref_slice %arg8[%dma_start3A_381, %dma_start3A_382, %dma_start3A_383] : memref<8x4x2048xf32, #tpu.memory_space<vmem>> -> memref<1x4x2048xf32, #tpu.memory_space<vmem>>
      %dma_start3A_385 = tpu.memref_squeeze %dma_start3A_384 : memref<1x4x2048xf32, #tpu.memory_space<vmem>> -> memref<4x2048xf32, #tpu.memory_space<vmem>>
      %dma_start3A_386 = arith.constant 0 : i32
      %dma_start3A_387 = tpu.memref_slice %arg5[%add3A_380, %dma_start3A_386] : memref<16384x2048xf32, #tpu.memory_space<hbm>> -> memref<4x2048xf32, #tpu.memory_space<hbm>>
      %dma_start3A_388 = arith.constant 0 : i32
      %dma_start3A_389 = tpu.memref_slice %arg5[%add3A_380, %dma_start3A_388] : memref<16384x2048xf32, #tpu.memory_space<hbm>> -> memref<4x2048xf32, #tpu.memory_space<hbm>>
      %dma_start3A_390 = arith.constant 0 : i32
      %dma_start3A_391 = arith.constant 0 : i32
      %dma_start3A_392 = tpu.memref_slice %arg8[%dma_start3A_381, %dma_start3A_390, %dma_start3A_391] : memref<8x4x2048xf32, #tpu.memory_space<vmem>> -> memref<1x4x2048xf32, #tpu.memory_space<vmem>>
      %dma_start3A_393 = tpu.memref_squeeze %dma_start3A_392 : memref<1x4x2048xf32, #tpu.memory_space<vmem>> -> memref<4x2048xf32, #tpu.memory_space<vmem>>
      tpu.enqueue_dma source(%dma_start3A_393 : memref<4x2048xf32, #tpu.memory_space<vmem>>) target(%dma_start3A_389 : memref<4x2048xf32, #tpu.memory_space<hbm>>) target_semaphore(%arg20 : memref<!tpu.dma_semaphore, #tpu.memory_space<semaphore_mem>>)
      %ge3A_394 = arith.constant 1 : i32
      %ge3A_395 = arith.cmpi sge, %add3A_238, %ge3A_394 : i32
      %convert_element_type3A_396 = arith.extui %ge3A_395 : i1 to i32
      %cond3A_397 = arith.constant 0 : i32
      %cond3A_398 = arith.cmpi ne, %convert_element_type3A_396, %cond3A_397 : i32
      scf.if %cond3A_398 {
        %dma_wait3A_680 = arith.constant 6 : i32
        %dma_wait3A_681 = arith.constant 0 : i32
        %dma_wait3A_682 = arith.constant 0 : i32
        %dma_wait3A_683 = tpu.memref_slice %arg8[%dma_wait3A_680, %dma_wait3A_681, %dma_wait3A_682] : memref<8x4x2048xf32, #tpu.memory_space<vmem>> -> memref<1x4x2048xf32, #tpu.memory_space<vmem>>
        %dma_wait3A_684 = tpu.memref_squeeze %dma_wait3A_683 : memref<1x4x2048xf32, #tpu.memory_space<vmem>> -> memref<4x2048xf32, #tpu.memory_space<vmem>>
        %dma_wait3A_685 = arith.constant 0 : i32
        %dma_wait3A_686 = arith.constant 0 : i32
        %dma_wait3A_687 = tpu.memref_slice %arg4[%dma_wait3A_685, %dma_wait3A_686] : memref<4096x2048xf32, #tpu.memory_space<hbm>> -> memref<4x2048xf32, #tpu.memory_space<hbm>>
        %dma_wait3A_688 = arith.constant 0 : i32
        %dma_wait3A_689 = arith.constant 0 : i32
        %dma_wait3A_690 = tpu.memref_slice %arg8[%dma_wait3A_680, %dma_wait3A_688, %dma_wait3A_689] : memref<8x4x2048xf32, #tpu.memory_space<vmem>> -> memref<1x4x2048xf32, #tpu.memory_space<vmem>>
        %dma_wait3A_691 = tpu.memref_squeeze %dma_wait3A_690 : memref<1x4x2048xf32, #tpu.memory_space<vmem>> -> memref<4x2048xf32, #tpu.memory_space<vmem>>
        %dma_wait3A_692 = arith.constant 0 : i32
        %dma_wait3A_693 = arith.constant 0 : i32
        %dma_wait3A_694 = tpu.memref_slice %arg4[%dma_wait3A_692, %dma_wait3A_693] : memref<4096x2048xf32, #tpu.memory_space<hbm>> -> memref<4x2048xf32, #tpu.memory_space<hbm>>
        tpu.wait_dma2 semaphore(%arg24 : memref<!tpu.dma_semaphore, #tpu.memory_space<semaphore_mem>>) src(%dma_wait3A_694 : memref<4x2048xf32, #tpu.memory_space<hbm>>) dst(%dma_wait3A_691 : memref<4x2048xf32, #tpu.memory_space<vmem>>)
      } else {
      }
      %add3A_399 = arith.constant 1 : i32
      %add3A_400 = arith.addi %add3A_238, %add3A_399 : i32
      %lt3A_401 = arith.constant 32 : i32
      %lt3A_402 = arith.cmpi slt, %add3A_400, %lt3A_401 : i32
      %convert_element_type3A_403 = arith.extui %lt3A_402 : i1 to i32
      %cond3A_404 = arith.constant 0 : i32
      %cond3A_405 = arith.cmpi ne, %convert_element_type3A_403, %cond3A_404 : i32
      scf.if %cond3A_405 {
        %add3A_680 = arith.constant 1 : i32
        %add3A_681 = arith.addi %add3A_238, %add3A_680 : i32
        %mul3A_682 = arith.constant 4 : i32
        %mul3A_683 = arith.muli %add3A_681, %mul3A_682 : i32
        %dma_start3A_684 = arith.constant 2 : i32
        %dma_start3A_685 = arith.constant 6 : i32
        %dma_start3A_686 = arith.constant 0 : i32
        %dma_start3A_687 = arith.constant 0 : i32
        %dma_start3A_688 = tpu.memref_slice %arg8[%dma_start3A_685, %dma_start3A_686, %dma_start3A_687] : memref<8x4x2048xf32, #tpu.memory_space<vmem>> -> memref<1x4x2048xf32, #tpu.memory_space<vmem>>
        %dma_start3A_689 = tpu.memref_squeeze %dma_start3A_688 : memref<1x4x2048xf32, #tpu.memory_space<vmem>> -> memref<4x2048xf32, #tpu.memory_space<vmem>>
        %dma_start3A_690 = tpu.memref_slice %arg6[%dma_start3A_684, %mul3A_683] : memref<4x128xi32, #tpu.memory_space<vmem>> -> memref<1x4xi32, #tpu.memory_space<vmem>>
        %dma_start3A_691 = tpu.memref_squeeze %dma_start3A_690 : memref<1x4xi32, #tpu.memory_space<vmem>> -> memref<4xi32, #tpu.memory_space<vmem>>
        %dma_start3A_692 = arith.constant 0 : i32
        %dma_start3A_693 = arith.constant 0 : i32
        %dma_start3A_694 = tpu.memref_slice %arg3[%dma_start3A_692, %dma_start3A_693] : memref<100000x2048xf32, #tpu.memory_space<hbm>> -> memref<100000x2048xf32, #tpu.memory_space<hbm>>
        tpu.enqueue_indirect_dma source(%dma_start3A_694 : memref<100000x2048xf32, #tpu.memory_space<hbm>>) target(%dma_start3A_689 : memref<4x2048xf32, #tpu.memory_space<vmem>>) offsets(%dma_start3A_691 : memref<4xi32, #tpu.memory_space<vmem>>) semaphore(%arg16 : memref<!tpu.dma_semaphore, #tpu.memory_space<semaphore_mem>>)
      } else {
      }
      %dma_wait3A_406 = arith.constant 3 : i32
      %dma_wait3A_407 = arith.constant 0 : i32
      %dma_wait3A_408 = arith.constant 0 : i32
      %dma_wait3A_409 = tpu.memref_slice %arg8[%dma_wait3A_406, %dma_wait3A_407, %dma_wait3A_408] : memref<8x4x2048xf32, #tpu.memory_space<vmem>> -> memref<1x4x2048xf32, #tpu.memory_space<vmem>>
      %dma_wait3A_410 = tpu.memref_squeeze %dma_wait3A_409 : memref<1x4x2048xf32, #tpu.memory_space<vmem>> -> memref<4x2048xf32, #tpu.memory_space<vmem>>
      %dma_wait3A_411 = arith.constant 0 : i32
      %dma_wait3A_412 = arith.constant 0 : i32
      %dma_wait3A_413 = tpu.memref_slice %arg4[%dma_wait3A_411, %dma_wait3A_412] : memref<4096x2048xf32, #tpu.memory_space<hbm>> -> memref<4x2048xf32, #tpu.memory_space<hbm>>
      %dma_wait3A_414 = arith.constant 0 : i32
      %dma_wait3A_415 = arith.constant 0 : i32
      %dma_wait3A_416 = tpu.memref_slice %arg8[%dma_wait3A_406, %dma_wait3A_414, %dma_wait3A_415] : memref<8x4x2048xf32, #tpu.memory_space<vmem>> -> memref<1x4x2048xf32, #tpu.memory_space<vmem>>
      %dma_wait3A_417 = tpu.memref_squeeze %dma_wait3A_416 : memref<1x4x2048xf32, #tpu.memory_space<vmem>> -> memref<4x2048xf32, #tpu.memory_space<vmem>>
      %dma_wait3A_418 = arith.constant 0 : i32
      %dma_wait3A_419 = arith.constant 0 : i32
      %dma_wait3A_420 = tpu.memref_slice %arg4[%dma_wait3A_418, %dma_wait3A_419] : memref<4096x2048xf32, #tpu.memory_space<hbm>> -> memref<4x2048xf32, #tpu.memory_space<hbm>>
      tpu.wait_dma2 semaphore(%arg13 : memref<!tpu.dma_semaphore, #tpu.memory_space<semaphore_mem>>) src(%dma_wait3A_420 : memref<4x2048xf32, #tpu.memory_space<hbm>>) dst(%dma_wait3A_417 : memref<4x2048xf32, #tpu.memory_space<vmem>>)
      %parallel_loop3A_421 = arith.constant 0 : i32
      %parallel_loop3A_422 = arith.constant 512 : i32
      %parallel_loop3A_423 = arith.constant 1 : i32
      %parallel_loop3A_424 = arith.constant 0 : i32
      %parallel_loop3A_425 = arith.constant 3 : i32
      scf.for %parallel_loop3A_680 = %parallel_loop3A_421 to %parallel_loop3A_422 step %parallel_loop3A_423  : i32 {
        %parallel_loop3A_681 = arith.constant 7 : i32
        %parallel_loop3A_682 = arith.shrui %parallel_loop3A_680, %parallel_loop3A_681 : i32
        %parallel_loop3A_683 = arith.constant 127 : i32
        %parallel_loop3A_684 = arith.andi %parallel_loop3A_680, %parallel_loop3A_683 : i32
        %parallel_loop3A_685 = arith.constant 4 : i32
        %parallel_loop3A_686 = arith.shli %parallel_loop3A_684, %parallel_loop3A_685 : i32
        %parallel_loop3A_687 = tpu.assume_multiple %parallel_loop3A_686, 16 : i32
        %parallel_loop3A_688 = arith.constant 0 : i32
        %parallel_loop3A_689 = arith.constant 0 : i32
        %parallel_loop3A_690 = tpu.memref_slice %arg7[%parallel_loop3A_424, %parallel_loop3A_688, %parallel_loop3A_689] : memref<2x4x2048xf32, #tpu.memory_space<vmem>> -> memref<1x4x2048xf32, #tpu.memory_space<vmem>>
        %parallel_loop3A_691 = tpu.memref_squeeze %parallel_loop3A_690 : memref<1x4x2048xf32, #tpu.memory_space<vmem>> -> memref<4x2048xf32, #tpu.memory_space<vmem>>
        %parallel_loop3A_692 = arith.index_cast %parallel_loop3A_682 : i32 to index
        %parallel_loop3A_693 = arith.index_cast %parallel_loop3A_687 : i32 to index
        %parallel_loop3A_694 = tpu.vector_load %parallel_loop3A_691[%parallel_loop3A_692, %parallel_loop3A_693] {strides = array<i32>} : memref<4x2048xf32, #tpu.memory_space<vmem>>, vector<1x16xf32>,
        %parallel_loop3A_695 = vector.shape_cast %parallel_loop3A_694 : vector<1x16xf32> to vector<16xf32>
        %parallel_loop3A_696 = arith.constant 0 : i32
        %parallel_loop3A_697 = arith.constant 0 : i32
        %parallel_loop3A_698 = tpu.memref_slice %arg8[%parallel_loop3A_425, %parallel_loop3A_696, %parallel_loop3A_697] : memref<8x4x2048xf32, #tpu.memory_space<vmem>> -> memref<1x4x2048xf32, #tpu.memory_space<vmem>>
        %parallel_loop3A_699 = tpu.memref_squeeze %parallel_loop3A_698 : memref<1x4x2048xf32, #tpu.memory_space<vmem>> -> memref<4x2048xf32, #tpu.memory_space<vmem>>
        %parallel_loop3A_700 = arith.index_cast %parallel_loop3A_682 : i32 to index
        %parallel_loop3A_701 = arith.index_cast %parallel_loop3A_687 : i32 to index
        %parallel_loop3A_702 = tpu.vector_load %parallel_loop3A_699[%parallel_loop3A_700, %parallel_loop3A_701] {strides = array<i32>} : memref<4x2048xf32, #tpu.memory_space<vmem>>, vector<1x16xf32>,
        %parallel_loop3A_703 = vector.shape_cast %parallel_loop3A_702 : vector<1x16xf32> to vector<16xf32>
        %parallel_loop3A_704 = vector.shape_cast %parallel_loop3A_695 : vector<16xf32> to vector<1x16xf32>
        tpu.vector_store %parallel_loop3A_699[%parallel_loop3A_700, %parallel_loop3A_701], %parallel_loop3A_704 {add = true, strides = array<i32>} : memref<4x2048xf32, #tpu.memory_space<vmem>>, vector<1x16xf32>,
      } {sc.loop_unroll_factor = 8 : i64, sc.parallel_access}
      %add3A_426 = arith.constant 12288 : i32
      %add3A_427 = arith.addi %add3A_426, %mul3A_2 : i32
      %mul3A_428 = arith.constant 4 : i32
      %mul3A_429 = arith.muli %add3A_238, %mul3A_428 : i32
      %add3A_430 = arith.addi %add3A_427, %mul3A_429 : i32
      %dma_start3A_431 = arith.constant 3 : i32
      %dma_start3A_432 = arith.constant 0 : i32
      %dma_start3A_433 = arith.constant 0 : i32
      %dma_start3A_434 = tpu.memref_slice %arg8[%dma_start3A_431, %dma_start3A_432, %dma_start3A_433] : memref<8x4x2048xf32, #tpu.memory_space<vmem>> -> memref<1x4x2048xf32, #tpu.memory_space<vmem>>
      %dma_start3A_435 = tpu.memref_squeeze %dma_start3A_434 : memref<1x4x2048xf32, #tpu.memory_space<vmem>> -> memref<4x2048xf32, #tpu.memory_space<vmem>>
      %dma_start3A_436 = arith.constant 0 : i32
      %dma_start3A_437 = tpu.memref_slice %arg5[%add3A_430, %dma_start3A_436] : memref<16384x2048xf32, #tpu.memory_space<hbm>> -> memref<4x2048xf32, #tpu.memory_space<hbm>>
      %dma_start3A_438 = arith.constant 0 : i32
      %dma_start3A_439 = tpu.memref_slice %arg5[%add3A_430, %dma_start3A_438] : memref<16384x2048xf32, #tpu.memory_space<hbm>> -> memref<4x2048xf32, #tpu.memory_space<hbm>>
      %dma_start3A_440 = arith.constant 0 : i32
      %dma_start3A_441 = arith.constant 0 : i32
      %dma_start3A_442 = tpu.memref_slice %arg8[%dma_start3A_431, %dma_start3A_440, %dma_start3A_441] : memref<8x4x2048xf32, #tpu.memory_space<vmem>> -> memref<1x4x2048xf32, #tpu.memory_space<vmem>>
      %dma_start3A_443 = tpu.memref_squeeze %dma_start3A_442 : memref<1x4x2048xf32, #tpu.memory_space<vmem>> -> memref<4x2048xf32, #tpu.memory_space<vmem>>
      tpu.enqueue_dma source(%dma_start3A_443 : memref<4x2048xf32, #tpu.memory_space<vmem>>) target(%dma_start3A_439 : memref<4x2048xf32, #tpu.memory_space<hbm>>) target_semaphore(%arg21 : memref<!tpu.dma_semaphore, #tpu.memory_space<semaphore_mem>>)
      %ge3A_444 = arith.constant 1 : i32
      %ge3A_445 = arith.cmpi sge, %add3A_238, %ge3A_444 : i32
      %convert_element_type3A_446 = arith.extui %ge3A_445 : i1 to i32
      %cond3A_447 = arith.constant 0 : i32
      %cond3A_448 = arith.cmpi ne, %convert_element_type3A_446, %cond3A_447 : i32
      scf.if %cond3A_448 {
        %dma_wait3A_680 = arith.constant 7 : i32
        %dma_wait3A_681 = arith.constant 0 : i32
        %dma_wait3A_682 = arith.constant 0 : i32
        %dma_wait3A_683 = tpu.memref_slice %arg8[%dma_wait3A_680, %dma_wait3A_681, %dma_wait3A_682] : memref<8x4x2048xf32, #tpu.memory_space<vmem>> -> memref<1x4x2048xf32, #tpu.memory_space<vmem>>
        %dma_wait3A_684 = tpu.memref_squeeze %dma_wait3A_683 : memref<1x4x2048xf32, #tpu.memory_space<vmem>> -> memref<4x2048xf32, #tpu.memory_space<vmem>>
        %dma_wait3A_685 = arith.constant 0 : i32
        %dma_wait3A_686 = arith.constant 0 : i32
        %dma_wait3A_687 = tpu.memref_slice %arg4[%dma_wait3A_685, %dma_wait3A_686] : memref<4096x2048xf32, #tpu.memory_space<hbm>> -> memref<4x2048xf32, #tpu.memory_space<hbm>>
        %dma_wait3A_688 = arith.constant 0 : i32
        %dma_wait3A_689 = arith.constant 0 : i32
        %dma_wait3A_690 = tpu.memref_slice %arg8[%dma_wait3A_680, %dma_wait3A_688, %dma_wait3A_689] : memref<8x4x2048xf32, #tpu.memory_space<vmem>> -> memref<1x4x2048xf32, #tpu.memory_space<vmem>>
        %dma_wait3A_691 = tpu.memref_squeeze %dma_wait3A_690 : memref<1x4x2048xf32, #tpu.memory_space<vmem>> -> memref<4x2048xf32, #tpu.memory_space<vmem>>
        %dma_wait3A_692 = arith.constant 0 : i32
        %dma_wait3A_693 = arith.constant 0 : i32
        %dma_wait3A_694 = tpu.memref_slice %arg4[%dma_wait3A_692, %dma_wait3A_693] : memref<4096x2048xf32, #tpu.memory_space<hbm>> -> memref<4x2048xf32, #tpu.memory_space<hbm>>
        tpu.wait_dma2 semaphore(%arg25 : memref<!tpu.dma_semaphore, #tpu.memory_space<semaphore_mem>>) src(%dma_wait3A_694 : memref<4x2048xf32, #tpu.memory_space<hbm>>) dst(%dma_wait3A_691 : memref<4x2048xf32, #tpu.memory_space<vmem>>)
      } else {
      }
      %add3A_449 = arith.constant 1 : i32
      %add3A_450 = arith.addi %add3A_238, %add3A_449 : i32
      %lt3A_451 = arith.constant 32 : i32
      %lt3A_452 = arith.cmpi slt, %add3A_450, %lt3A_451 : i32
      %convert_element_type3A_453 = arith.extui %lt3A_452 : i1 to i32
      %cond3A_454 = arith.constant 0 : i32
      %cond3A_455 = arith.cmpi ne, %convert_element_type3A_453, %cond3A_454 : i32
      scf.if %cond3A_455 {
        %add3A_680 = arith.constant 1 : i32
        %add3A_681 = arith.addi %add3A_238, %add3A_680 : i32
        %mul3A_682 = arith.constant 4 : i32
        %mul3A_683 = arith.muli %add3A_681, %mul3A_682 : i32
        %dma_start3A_684 = arith.constant 3 : i32
        %dma_start3A_685 = arith.constant 7 : i32
        %dma_start3A_686 = arith.constant 0 : i32
        %dma_start3A_687 = arith.constant 0 : i32
        %dma_start3A_688 = tpu.memref_slice %arg8[%dma_start3A_685, %dma_start3A_686, %dma_start3A_687] : memref<8x4x2048xf32, #tpu.memory_space<vmem>> -> memref<1x4x2048xf32, #tpu.memory_space<vmem>>
        %dma_start3A_689 = tpu.memref_squeeze %dma_start3A_688 : memref<1x4x2048xf32, #tpu.memory_space<vmem>> -> memref<4x2048xf32, #tpu.memory_space<vmem>>
        %dma_start3A_690 = tpu.memref_slice %arg6[%dma_start3A_684, %mul3A_683] : memref<4x128xi32, #tpu.memory_space<vmem>> -> memref<1x4xi32, #tpu.memory_space<vmem>>
        %dma_start3A_691 = tpu.memref_squeeze %dma_start3A_690 : memref<1x4xi32, #tpu.memory_space<vmem>> -> memref<4xi32, #tpu.memory_space<vmem>>
        %dma_start3A_692 = arith.constant 0 : i32
        %dma_start3A_693 = arith.constant 0 : i32
        %dma_start3A_694 = tpu.memref_slice %arg3[%dma_start3A_692, %dma_start3A_693] : memref<100000x2048xf32, #tpu.memory_space<hbm>> -> memref<100000x2048xf32, #tpu.memory_space<hbm>>
        tpu.enqueue_indirect_dma source(%dma_start3A_694 : memref<100000x2048xf32, #tpu.memory_space<hbm>>) target(%dma_start3A_689 : memref<4x2048xf32, #tpu.memory_space<vmem>>) offsets(%dma_start3A_691 : memref<4xi32, #tpu.memory_space<vmem>>) semaphore(%arg17 : memref<!tpu.dma_semaphore, #tpu.memory_space<semaphore_mem>>)
      } else {
      }
      %add3A_456 = arith.constant 1 : i32
      %add3A_457 = arith.addi %add3A_236, %add3A_456 : i32
      %dma_wait3A_458 = arith.constant 1 : i32
      %dma_wait3A_459 = arith.constant 0 : i32
      %dma_wait3A_460 = arith.constant 0 : i32
      %dma_wait3A_461 = tpu.memref_slice %arg7[%dma_wait3A_458, %dma_wait3A_459, %dma_wait3A_460] : memref<2x4x2048xf32, #tpu.memory_space<vmem>> -> memref<1x4x2048xf32, #tpu.memory_space<vmem>>
      %dma_wait3A_462 = tpu.memref_squeeze %dma_wait3A_461 : memref<1x4x2048xf32, #tpu.memory_space<vmem>> -> memref<4x2048xf32, #tpu.memory_space<vmem>>
      %dma_wait3A_463 = arith.constant 0 : i32
      %dma_wait3A_464 = arith.constant 0 : i32
      %dma_wait3A_465 = tpu.memref_slice %arg4[%dma_wait3A_463, %dma_wait3A_464] : memref<4096x2048xf32, #tpu.memory_space<hbm>> -> memref<4x2048xf32, #tpu.memory_space<hbm>>
      %dma_wait3A_466 = arith.constant 0 : i32
      %dma_wait3A_467 = arith.constant 0 : i32
      %dma_wait3A_468 = tpu.memref_slice %arg7[%dma_wait3A_458, %dma_wait3A_466, %dma_wait3A_467] : memref<2x4x2048xf32, #tpu.memory_space<vmem>> -> memref<1x4x2048xf32, #tpu.memory_space<vmem>>
      %dma_wait3A_469 = tpu.memref_squeeze %dma_wait3A_468 : memref<1x4x2048xf32, #tpu.memory_space<vmem>> -> memref<4x2048xf32, #tpu.memory_space<vmem>>
      %dma_wait3A_470 = arith.constant 0 : i32
      %dma_wait3A_471 = arith.constant 0 : i32
      %dma_wait3A_472 = tpu.memref_slice %arg4[%dma_wait3A_470, %dma_wait3A_471] : memref<4096x2048xf32, #tpu.memory_space<hbm>> -> memref<4x2048xf32, #tpu.memory_space<hbm>>
      tpu.wait_dma2 semaphore(%arg9 : memref<!tpu.dma_semaphore, #tpu.memory_space<semaphore_mem>>) src(%dma_wait3A_472 : memref<4x2048xf32, #tpu.memory_space<hbm>>) dst(%dma_wait3A_469 : memref<4x2048xf32, #tpu.memory_space<vmem>>)
      %add3A_473 = arith.constant 1 : i32
      %add3A_474 = arith.addi %add3A_457, %add3A_473 : i32
      %lt3A_475 = arith.constant 32 : i32
      %lt3A_476 = arith.cmpi slt, %add3A_474, %lt3A_475 : i32
      %convert_element_type3A_477 = arith.extui %lt3A_476 : i1 to i32
      %cond3A_478 = arith.constant 0 : i32
      %cond3A_479 = arith.cmpi ne, %convert_element_type3A_477, %cond3A_478 : i32
      scf.if %cond3A_479 {
        %add3A_680 = arith.constant 1 : i32
        %add3A_681 = arith.addi %add3A_457, %add3A_680 : i32
        %mul3A_682 = arith.constant 4 : i32
        %mul3A_683 = arith.muli %add3A_681, %mul3A_682 : i32
        %add3A_684 = arith.addi %mul3A_2, %mul3A_683 : i32
        %dma_start3A_685 = arith.constant 0 : i32
        %dma_start3A_686 = arith.constant 0 : i32
        %dma_start3A_687 = arith.constant 0 : i32
        %dma_start3A_688 = tpu.memref_slice %arg7[%dma_start3A_685, %dma_start3A_686, %dma_start3A_687] : memref<2x4x2048xf32, #tpu.memory_space<vmem>> -> memref<1x4x2048xf32, #tpu.memory_space<vmem>>
        %dma_start3A_689 = tpu.memref_squeeze %dma_start3A_688 : memref<1x4x2048xf32, #tpu.memory_space<vmem>> -> memref<4x2048xf32, #tpu.memory_space<vmem>>
        %dma_start3A_690 = arith.constant 0 : i32
        %dma_start3A_691 = tpu.memref_slice %arg4[%add3A_684, %dma_start3A_690] : memref<4096x2048xf32, #tpu.memory_space<hbm>> -> memref<4x2048xf32, #tpu.memory_space<hbm>>
        %dma_start3A_692 = arith.constant 0 : i32
        %dma_start3A_693 = arith.constant 0 : i32
        %dma_start3A_694 = tpu.memref_slice %arg7[%dma_start3A_685, %dma_start3A_692, %dma_start3A_693] : memref<2x4x2048xf32, #tpu.memory_space<vmem>> -> memref<1x4x2048xf32, #tpu.memory_space<vmem>>
        %dma_start3A_695 = tpu.memref_squeeze %dma_start3A_694 : memref<1x4x2048xf32, #tpu.memory_space<vmem>> -> memref<4x2048xf32, #tpu.memory_space<vmem>>
        %dma_start3A_696 = arith.constant 0 : i32
        %dma_start3A_697 = tpu.memref_slice %arg4[%add3A_684, %dma_start3A_696] : memref<4096x2048xf32, #tpu.memory_space<hbm>> -> memref<4x2048xf32, #tpu.memory_space<hbm>>
        tpu.enqueue_dma source(%dma_start3A_697 : memref<4x2048xf32, #tpu.memory_space<hbm>>) target(%dma_start3A_695 : memref<4x2048xf32, #tpu.memory_space<vmem>>) target_semaphore(%arg9 : memref<!tpu.dma_semaphore, #tpu.memory_space<semaphore_mem>>)
      } else {
      }
      %dma_wait3A_480 = arith.constant 4 : i32
      %dma_wait3A_481 = arith.constant 0 : i32
      %dma_wait3A_482 = arith.constant 0 : i32
      %dma_wait3A_483 = tpu.memref_slice %arg8[%dma_wait3A_480, %dma_wait3A_481, %dma_wait3A_482] : memref<8x4x2048xf32, #tpu.memory_space<vmem>> -> memref<1x4x2048xf32, #tpu.memory_space<vmem>>
      %dma_wait3A_484 = tpu.memref_squeeze %dma_wait3A_483 : memref<1x4x2048xf32, #tpu.memory_space<vmem>> -> memref<4x2048xf32, #tpu.memory_space<vmem>>
      %dma_wait3A_485 = arith.constant 0 : i32
      %dma_wait3A_486 = arith.constant 0 : i32
      %dma_wait3A_487 = tpu.memref_slice %arg4[%dma_wait3A_485, %dma_wait3A_486] : memref<4096x2048xf32, #tpu.memory_space<hbm>> -> memref<4x2048xf32, #tpu.memory_space<hbm>>
      %dma_wait3A_488 = arith.constant 0 : i32
      %dma_wait3A_489 = arith.constant 0 : i32
      %dma_wait3A_490 = tpu.memref_slice %arg8[%dma_wait3A_480, %dma_wait3A_488, %dma_wait3A_489] : memref<8x4x2048xf32, #tpu.memory_space<vmem>> -> memref<1x4x2048xf32, #tpu.memory_space<vmem>>
      %dma_wait3A_491 = tpu.memref_squeeze %dma_wait3A_490 : memref<1x4x2048xf32, #tpu.memory_space<vmem>> -> memref<4x2048xf32, #tpu.memory_space<vmem>>
      %dma_wait3A_492 = arith.constant 0 : i32
      %dma_wait3A_493 = arith.constant 0 : i32
      %dma_wait3A_494 = tpu.memref_slice %arg4[%dma_wait3A_492, %dma_wait3A_493] : memref<4096x2048xf32, #tpu.memory_space<hbm>> -> memref<4x2048xf32, #tpu.memory_space<hbm>>
      tpu.wait_dma2 semaphore(%arg14 : memref<!tpu.dma_semaphore, #tpu.memory_space<semaphore_mem>>) src(%dma_wait3A_494 : memref<4x2048xf32, #tpu.memory_space<hbm>>) dst(%dma_wait3A_491 : memref<4x2048xf32, #tpu.memory_space<vmem>>)
      %parallel_loop3A_495 = arith.constant 0 : i32
      %parallel_loop3A_496 = arith.constant 512 : i32
      %parallel_loop3A_497 = arith.constant 1 : i32
      %parallel_loop3A_498 = arith.constant 1 : i32
      %parallel_loop3A_499 = arith.constant 4 : i32
      scf.for %parallel_loop3A_680 = %parallel_loop3A_495 to %parallel_loop3A_496 step %parallel_loop3A_497  : i32 {
        %parallel_loop3A_681 = arith.constant 7 : i32
        %parallel_loop3A_682 = arith.shrui %parallel_loop3A_680, %parallel_loop3A_681 : i32
        %parallel_loop3A_683 = arith.constant 127 : i32
        %parallel_loop3A_684 = arith.andi %parallel_loop3A_680, %parallel_loop3A_683 : i32
        %parallel_loop3A_685 = arith.constant 4 : i32
        %parallel_loop3A_686 = arith.shli %parallel_loop3A_684, %parallel_loop3A_685 : i32
        %parallel_loop3A_687 = tpu.assume_multiple %parallel_loop3A_686, 16 : i32
        %parallel_loop3A_688 = arith.constant 0 : i32
        %parallel_loop3A_689 = arith.constant 0 : i32
        %parallel_loop3A_690 = tpu.memref_slice %arg7[%parallel_loop3A_498, %parallel_loop3A_688, %parallel_loop3A_689] : memref<2x4x2048xf32, #tpu.memory_space<vmem>> -> memref<1x4x2048xf32, #tpu.memory_space<vmem>>
        %parallel_loop3A_691 = tpu.memref_squeeze %parallel_loop3A_690 : memref<1x4x2048xf32, #tpu.memory_space<vmem>> -> memref<4x2048xf32, #tpu.memory_space<vmem>>
        %parallel_loop3A_692 = arith.index_cast %parallel_loop3A_682 : i32 to index
        %parallel_loop3A_693 = arith.index_cast %parallel_loop3A_687 : i32 to index
        %parallel_loop3A_694 = tpu.vector_load %parallel_loop3A_691[%parallel_loop3A_692, %parallel_loop3A_693] {strides = array<i32>} : memref<4x2048xf32, #tpu.memory_space<vmem>>, vector<1x16xf32>,
        %parallel_loop3A_695 = vector.shape_cast %parallel_loop3A_694 : vector<1x16xf32> to vector<16xf32>
        %parallel_loop3A_696 = arith.constant 0 : i32
        %parallel_loop3A_697 = arith.constant 0 : i32
        %parallel_loop3A_698 = tpu.memref_slice %arg8[%parallel_loop3A_499, %parallel_loop3A_696, %parallel_loop3A_697] : memref<8x4x2048xf32, #tpu.memory_space<vmem>> -> memref<1x4x2048xf32, #tpu.memory_space<vmem>>
        %parallel_loop3A_699 = tpu.memref_squeeze %parallel_loop3A_698 : memref<1x4x2048xf32, #tpu.memory_space<vmem>> -> memref<4x2048xf32, #tpu.memory_space<vmem>>
        %parallel_loop3A_700 = arith.index_cast %parallel_loop3A_682 : i32 to index
        %parallel_loop3A_701 = arith.index_cast %parallel_loop3A_687 : i32 to index
        %parallel_loop3A_702 = tpu.vector_load %parallel_loop3A_699[%parallel_loop3A_700, %parallel_loop3A_701] {strides = array<i32>} : memref<4x2048xf32, #tpu.memory_space<vmem>>, vector<1x16xf32>,
        %parallel_loop3A_703 = vector.shape_cast %parallel_loop3A_702 : vector<1x16xf32> to vector<16xf32>
        %parallel_loop3A_704 = vector.shape_cast %parallel_loop3A_695 : vector<16xf32> to vector<1x16xf32>
        tpu.vector_store %parallel_loop3A_699[%parallel_loop3A_700, %parallel_loop3A_701], %parallel_loop3A_704 {add = true, strides = array<i32>} : memref<4x2048xf32, #tpu.memory_space<vmem>>, vector<1x16xf32>,
      } {sc.loop_unroll_factor = 8 : i64, sc.parallel_access}
      %add3A_500 = arith.constant 0 : i32
      %add3A_501 = arith.addi %add3A_500, %mul3A_2 : i32
      %mul3A_502 = arith.constant 4 : i32
      %mul3A_503 = arith.muli %add3A_457, %mul3A_502 : i32
      %add3A_504 = arith.addi %add3A_501, %mul3A_503 : i32
      %dma_start3A_505 = arith.constant 4 : i32
      %dma_start3A_506 = arith.constant 0 : i32
      %dma_start3A_507 = arith.constant 0 : i32
      %dma_start3A_508 = tpu.memref_slice %arg8[%dma_start3A_505, %dma_start3A_506, %dma_start3A_507] : memref<8x4x2048xf32, #tpu.memory_space<vmem>> -> memref<1x4x2048xf32, #tpu.memory_space<vmem>>
      %dma_start3A_509 = tpu.memref_squeeze %dma_start3A_508 : memref<1x4x2048xf32, #tpu.memory_space<vmem>> -> memref<4x2048xf32, #tpu.memory_space<vmem>>
      %dma_start3A_510 = arith.constant 0 : i32
      %dma_start3A_511 = tpu.memref_slice %arg5[%add3A_504, %dma_start3A_510] : memref<16384x2048xf32, #tpu.memory_space<hbm>> -> memref<4x2048xf32, #tpu.memory_space<hbm>>
      %dma_start3A_512 = arith.constant 0 : i32
      %dma_start3A_513 = tpu.memref_slice %arg5[%add3A_504, %dma_start3A_512] : memref<16384x2048xf32, #tpu.memory_space<hbm>> -> memref<4x2048xf32, #tpu.memory_space<hbm>>
      %dma_start3A_514 = arith.constant 0 : i32
      %dma_start3A_515 = arith.constant 0 : i32
      %dma_start3A_516 = tpu.memref_slice %arg8[%dma_start3A_505, %dma_start3A_514, %dma_start3A_515] : memref<8x4x2048xf32, #tpu.memory_space<vmem>> -> memref<1x4x2048xf32, #tpu.memory_space<vmem>>
      %dma_start3A_517 = tpu.memref_squeeze %dma_start3A_516 : memref<1x4x2048xf32, #tpu.memory_space<vmem>> -> memref<4x2048xf32, #tpu.memory_space<vmem>>
      tpu.enqueue_dma source(%dma_start3A_517 : memref<4x2048xf32, #tpu.memory_space<vmem>>) target(%dma_start3A_513 : memref<4x2048xf32, #tpu.memory_space<hbm>>) target_semaphore(%arg22 : memref<!tpu.dma_semaphore, #tpu.memory_space<semaphore_mem>>)
      %ge3A_518 = arith.constant 1 : i32
      %ge3A_519 = arith.cmpi sge, %add3A_457, %ge3A_518 : i32
      %convert_element_type3A_520 = arith.extui %ge3A_519 : i1 to i32
      %cond3A_521 = arith.constant 0 : i32
      %cond3A_522 = arith.cmpi ne, %convert_element_type3A_520, %cond3A_521 : i32
      scf.if %cond3A_522 {
        %dma_wait3A_680 = arith.constant 0 : i32
        %dma_wait3A_681 = arith.constant 0 : i32
        %dma_wait3A_682 = arith.constant 0 : i32
        %dma_wait3A_683 = tpu.memref_slice %arg8[%dma_wait3A_680, %dma_wait3A_681, %dma_wait3A_682] : memref<8x4x2048xf32, #tpu.memory_space<vmem>> -> memref<1x4x2048xf32, #tpu.memory_space<vmem>>
        %dma_wait3A_684 = tpu.memref_squeeze %dma_wait3A_683 : memref<1x4x2048xf32, #tpu.memory_space<vmem>> -> memref<4x2048xf32, #tpu.memory_space<vmem>>
        %dma_wait3A_685 = arith.constant 0 : i32
        %dma_wait3A_686 = arith.constant 0 : i32
        %dma_wait3A_687 = tpu.memref_slice %arg4[%dma_wait3A_685, %dma_wait3A_686] : memref<4096x2048xf32, #tpu.memory_space<hbm>> -> memref<4x2048xf32, #tpu.memory_space<hbm>>
        %dma_wait3A_688 = arith.constant 0 : i32
        %dma_wait3A_689 = arith.constant 0 : i32
        %dma_wait3A_690 = tpu.memref_slice %arg8[%dma_wait3A_680, %dma_wait3A_688, %dma_wait3A_689] : memref<8x4x2048xf32, #tpu.memory_space<vmem>> -> memref<1x4x2048xf32, #tpu.memory_space<vmem>>
        %dma_wait3A_691 = tpu.memref_squeeze %dma_wait3A_690 : memref<1x4x2048xf32, #tpu.memory_space<vmem>> -> memref<4x2048xf32, #tpu.memory_space<vmem>>
        %dma_wait3A_692 = arith.constant 0 : i32
        %dma_wait3A_693 = arith.constant 0 : i32
        %dma_wait3A_694 = tpu.memref_slice %arg4[%dma_wait3A_692, %dma_wait3A_693] : memref<4096x2048xf32, #tpu.memory_space<hbm>> -> memref<4x2048xf32, #tpu.memory_space<hbm>>
        tpu.wait_dma2 semaphore(%arg18 : memref<!tpu.dma_semaphore, #tpu.memory_space<semaphore_mem>>) src(%dma_wait3A_694 : memref<4x2048xf32, #tpu.memory_space<hbm>>) dst(%dma_wait3A_691 : memref<4x2048xf32, #tpu.memory_space<vmem>>)
      } else {
      }
      %add3A_523 = arith.constant 1 : i32
      %add3A_524 = arith.addi %add3A_457, %add3A_523 : i32
      %lt3A_525 = arith.constant 32 : i32
      %lt3A_526 = arith.cmpi slt, %add3A_524, %lt3A_525 : i32
      %convert_element_type3A_527 = arith.extui %lt3A_526 : i1 to i32
      %cond3A_528 = arith.constant 0 : i32
      %cond3A_529 = arith.cmpi ne, %convert_element_type3A_527, %cond3A_528 : i32
      scf.if %cond3A_529 {
        %add3A_680 = arith.constant 1 : i32
        %add3A_681 = arith.addi %add3A_457, %add3A_680 : i32
        %mul3A_682 = arith.constant 4 : i32
        %mul3A_683 = arith.muli %add3A_681, %mul3A_682 : i32
        %dma_start3A_684 = arith.constant 0 : i32
        %dma_start3A_685 = arith.constant 0 : i32
        %dma_start3A_686 = arith.constant 0 : i32
        %dma_start3A_687 = arith.constant 0 : i32
        %dma_start3A_688 = tpu.memref_slice %arg8[%dma_start3A_685, %dma_start3A_686, %dma_start3A_687] : memref<8x4x2048xf32, #tpu.memory_space<vmem>> -> memref<1x4x2048xf32, #tpu.memory_space<vmem>>
        %dma_start3A_689 = tpu.memref_squeeze %dma_start3A_688 : memref<1x4x2048xf32, #tpu.memory_space<vmem>> -> memref<4x2048xf32, #tpu.memory_space<vmem>>
        %dma_start3A_690 = tpu.memref_slice %arg6[%dma_start3A_684, %mul3A_683] : memref<4x128xi32, #tpu.memory_space<vmem>> -> memref<1x4xi32, #tpu.memory_space<vmem>>
        %dma_start3A_691 = tpu.memref_squeeze %dma_start3A_690 : memref<1x4xi32, #tpu.memory_space<vmem>> -> memref<4xi32, #tpu.memory_space<vmem>>
        %dma_start3A_692 = arith.constant 0 : i32
        %dma_start3A_693 = arith.constant 0 : i32
        %dma_start3A_694 = tpu.memref_slice %arg3[%dma_start3A_692, %dma_start3A_693] : memref<100000x2048xf32, #tpu.memory_space<hbm>> -> memref<100000x2048xf32, #tpu.memory_space<hbm>>
        tpu.enqueue_indirect_dma source(%dma_start3A_694 : memref<100000x2048xf32, #tpu.memory_space<hbm>>) target(%dma_start3A_689 : memref<4x2048xf32, #tpu.memory_space<vmem>>) offsets(%dma_start3A_691 : memref<4xi32, #tpu.memory_space<vmem>>) semaphore(%arg10 : memref<!tpu.dma_semaphore, #tpu.memory_space<semaphore_mem>>)
      } else {
      }
      %dma_wait3A_530 = arith.constant 5 : i32
      %dma_wait3A_531 = arith.constant 0 : i32
      %dma_wait3A_532 = arith.constant 0 : i32
      %dma_wait3A_533 = tpu.memref_slice %arg8[%dma_wait3A_530, %dma_wait3A_531, %dma_wait3A_532] : memref<8x4x2048xf32, #tpu.memory_space<vmem>> -> memref<1x4x2048xf32, #tpu.memory_space<vmem>>
      %dma_wait3A_534 = tpu.memref_squeeze %dma_wait3A_533 : memref<1x4x2048xf32, #tpu.memory_space<vmem>> -> memref<4x2048xf32, #tpu.memory_space<vmem>>
      %dma_wait3A_535 = arith.constant 0 : i32
      %dma_wait3A_536 = arith.constant 0 : i32
      %dma_wait3A_537 = tpu.memref_slice %arg4[%dma_wait3A_535, %dma_wait3A_536] : memref<4096x2048xf32, #tpu.memory_space<hbm>> -> memref<4x2048xf32, #tpu.memory_space<hbm>>
      %dma_wait3A_538 = arith.constant 0 : i32
      %dma_wait3A_539 = arith.constant 0 : i32
      %dma_wait3A_540 = tpu.memref_slice %arg8[%dma_wait3A_530, %dma_wait3A_538, %dma_wait3A_539] : memref<8x4x2048xf32, #tpu.memory_space<vmem>> -> memref<1x4x2048xf32, #tpu.memory_space<vmem>>
      %dma_wait3A_541 = tpu.memref_squeeze %dma_wait3A_540 : memref<1x4x2048xf32, #tpu.memory_space<vmem>> -> memref<4x2048xf32, #tpu.memory_space<vmem>>
      %dma_wait3A_542 = arith.constant 0 : i32
      %dma_wait3A_543 = arith.constant 0 : i32
      %dma_wait3A_544 = tpu.memref_slice %arg4[%dma_wait3A_542, %dma_wait3A_543] : memref<4096x2048xf32, #tpu.memory_space<hbm>> -> memref<4x2048xf32, #tpu.memory_space<hbm>>
      tpu.wait_dma2 semaphore(%arg15 : memref<!tpu.dma_semaphore, #tpu.memory_space<semaphore_mem>>) src(%dma_wait3A_544 : memref<4x2048xf32, #tpu.memory_space<hbm>>) dst(%dma_wait3A_541 : memref<4x2048xf32, #tpu.memory_space<vmem>>)
      %parallel_loop3A_545 = arith.constant 0 : i32
      %parallel_loop3A_546 = arith.constant 512 : i32
      %parallel_loop3A_547 = arith.constant 1 : i32
      %parallel_loop3A_548 = arith.constant 1 : i32
      %parallel_loop3A_549 = arith.constant 5 : i32
      scf.for %parallel_loop3A_680 = %parallel_loop3A_545 to %parallel_loop3A_546 step %parallel_loop3A_547  : i32 {
        %parallel_loop3A_681 = arith.constant 7 : i32
        %parallel_loop3A_682 = arith.shrui %parallel_loop3A_680, %parallel_loop3A_681 : i32
        %parallel_loop3A_683 = arith.constant 127 : i32
        %parallel_loop3A_684 = arith.andi %parallel_loop3A_680, %parallel_loop3A_683 : i32
        %parallel_loop3A_685 = arith.constant 4 : i32
        %parallel_loop3A_686 = arith.shli %parallel_loop3A_684, %parallel_loop3A_685 : i32
        %parallel_loop3A_687 = tpu.assume_multiple %parallel_loop3A_686, 16 : i32
        %parallel_loop3A_688 = arith.constant 0 : i32
        %parallel_loop3A_689 = arith.constant 0 : i32
        %parallel_loop3A_690 = tpu.memref_slice %arg7[%parallel_loop3A_548, %parallel_loop3A_688, %parallel_loop3A_689] : memref<2x4x2048xf32, #tpu.memory_space<vmem>> -> memref<1x4x2048xf32, #tpu.memory_space<vmem>>
        %parallel_loop3A_691 = tpu.memref_squeeze %parallel_loop3A_690 : memref<1x4x2048xf32, #tpu.memory_space<vmem>> -> memref<4x2048xf32, #tpu.memory_space<vmem>>
        %parallel_loop3A_692 = arith.index_cast %parallel_loop3A_682 : i32 to index
        %parallel_loop3A_693 = arith.index_cast %parallel_loop3A_687 : i32 to index
        %parallel_loop3A_694 = tpu.vector_load %parallel_loop3A_691[%parallel_loop3A_692, %parallel_loop3A_693] {strides = array<i32>} : memref<4x2048xf32, #tpu.memory_space<vmem>>, vector<1x16xf32>,
        %parallel_loop3A_695 = vector.shape_cast %parallel_loop3A_694 : vector<1x16xf32> to vector<16xf32>
        %parallel_loop3A_696 = arith.constant 0 : i32
        %parallel_loop3A_697 = arith.constant 0 : i32
        %parallel_loop3A_698 = tpu.memref_slice %arg8[%parallel_loop3A_549, %parallel_loop3A_696, %parallel_loop3A_697] : memref<8x4x2048xf32, #tpu.memory_space<vmem>> -> memref<1x4x2048xf32, #tpu.memory_space<vmem>>
        %parallel_loop3A_699 = tpu.memref_squeeze %parallel_loop3A_698 : memref<1x4x2048xf32, #tpu.memory_space<vmem>> -> memref<4x2048xf32, #tpu.memory_space<vmem>>
        %parallel_loop3A_700 = arith.index_cast %parallel_loop3A_682 : i32 to index
        %parallel_loop3A_701 = arith.index_cast %parallel_loop3A_687 : i32 to index
        %parallel_loop3A_702 = tpu.vector_load %parallel_loop3A_699[%parallel_loop3A_700, %parallel_loop3A_701] {strides = array<i32>} : memref<4x2048xf32, #tpu.memory_space<vmem>>, vector<1x16xf32>,
        %parallel_loop3A_703 = vector.shape_cast %parallel_loop3A_702 : vector<1x16xf32> to vector<16xf32>
        %parallel_loop3A_704 = vector.shape_cast %parallel_loop3A_695 : vector<16xf32> to vector<1x16xf32>
        tpu.vector_store %parallel_loop3A_699[%parallel_loop3A_700, %parallel_loop3A_701], %parallel_loop3A_704 {add = true, strides = array<i32>} : memref<4x2048xf32, #tpu.memory_space<vmem>>, vector<1x16xf32>,
      } {sc.loop_unroll_factor = 8 : i64, sc.parallel_access}
      %add3A_550 = arith.constant 4096 : i32
      %add3A_551 = arith.addi %add3A_550, %mul3A_2 : i32
      %mul3A_552 = arith.constant 4 : i32
      %mul3A_553 = arith.muli %add3A_457, %mul3A_552 : i32
      %add3A_554 = arith.addi %add3A_551, %mul3A_553 : i32
      %dma_start3A_555 = arith.constant 5 : i32
      %dma_start3A_556 = arith.constant 0 : i32
      %dma_start3A_557 = arith.constant 0 : i32
      %dma_start3A_558 = tpu.memref_slice %arg8[%dma_start3A_555, %dma_start3A_556, %dma_start3A_557] : memref<8x4x2048xf32, #tpu.memory_space<vmem>> -> memref<1x4x2048xf32, #tpu.memory_space<vmem>>
      %dma_start3A_559 = tpu.memref_squeeze %dma_start3A_558 : memref<1x4x2048xf32, #tpu.memory_space<vmem>> -> memref<4x2048xf32, #tpu.memory_space<vmem>>
      %dma_start3A_560 = arith.constant 0 : i32
      %dma_start3A_561 = tpu.memref_slice %arg5[%add3A_554, %dma_start3A_560] : memref<16384x2048xf32, #tpu.memory_space<hbm>> -> memref<4x2048xf32, #tpu.memory_space<hbm>>
      %dma_start3A_562 = arith.constant 0 : i32
      %dma_start3A_563 = tpu.memref_slice %arg5[%add3A_554, %dma_start3A_562] : memref<16384x2048xf32, #tpu.memory_space<hbm>> -> memref<4x2048xf32, #tpu.memory_space<hbm>>
      %dma_start3A_564 = arith.constant 0 : i32
      %dma_start3A_565 = arith.constant 0 : i32
      %dma_start3A_566 = tpu.memref_slice %arg8[%dma_start3A_555, %dma_start3A_564, %dma_start3A_565] : memref<8x4x2048xf32, #tpu.memory_space<vmem>> -> memref<1x4x2048xf32, #tpu.memory_space<vmem>>
      %dma_start3A_567 = tpu.memref_squeeze %dma_start3A_566 : memref<1x4x2048xf32, #tpu.memory_space<vmem>> -> memref<4x2048xf32, #tpu.memory_space<vmem>>
      tpu.enqueue_dma source(%dma_start3A_567 : memref<4x2048xf32, #tpu.memory_space<vmem>>) target(%dma_start3A_563 : memref<4x2048xf32, #tpu.memory_space<hbm>>) target_semaphore(%arg23 : memref<!tpu.dma_semaphore, #tpu.memory_space<semaphore_mem>>)
      %ge3A_568 = arith.constant 1 : i32
      %ge3A_569 = arith.cmpi sge, %add3A_457, %ge3A_568 : i32
      %convert_element_type3A_570 = arith.extui %ge3A_569 : i1 to i32
      %cond3A_571 = arith.constant 0 : i32
      %cond3A_572 = arith.cmpi ne, %convert_element_type3A_570, %cond3A_571 : i32
      scf.if %cond3A_572 {
        %dma_wait3A_680 = arith.constant 1 : i32
        %dma_wait3A_681 = arith.constant 0 : i32
        %dma_wait3A_682 = arith.constant 0 : i32
        %dma_wait3A_683 = tpu.memref_slice %arg8[%dma_wait3A_680, %dma_wait3A_681, %dma_wait3A_682] : memref<8x4x2048xf32, #tpu.memory_space<vmem>> -> memref<1x4x2048xf32, #tpu.memory_space<vmem>>
        %dma_wait3A_684 = tpu.memref_squeeze %dma_wait3A_683 : memref<1x4x2048xf32, #tpu.memory_space<vmem>> -> memref<4x2048xf32, #tpu.memory_space<vmem>>
        %dma_wait3A_685 = arith.constant 0 : i32
        %dma_wait3A_686 = arith.constant 0 : i32
        %dma_wait3A_687 = tpu.memref_slice %arg4[%dma_wait3A_685, %dma_wait3A_686] : memref<4096x2048xf32, #tpu.memory_space<hbm>> -> memref<4x2048xf32, #tpu.memory_space<hbm>>
        %dma_wait3A_688 = arith.constant 0 : i32
        %dma_wait3A_689 = arith.constant 0 : i32
        %dma_wait3A_690 = tpu.memref_slice %arg8[%dma_wait3A_680, %dma_wait3A_688, %dma_wait3A_689] : memref<8x4x2048xf32, #tpu.memory_space<vmem>> -> memref<1x4x2048xf32, #tpu.memory_space<vmem>>
        %dma_wait3A_691 = tpu.memref_squeeze %dma_wait3A_690 : memref<1x4x2048xf32, #tpu.memory_space<vmem>> -> memref<4x2048xf32, #tpu.memory_space<vmem>>
        %dma_wait3A_692 = arith.constant 0 : i32
        %dma_wait3A_693 = arith.constant 0 : i32
        %dma_wait3A_694 = tpu.memref_slice %arg4[%dma_wait3A_692, %dma_wait3A_693] : memref<4096x2048xf32, #tpu.memory_space<hbm>> -> memref<4x2048xf32, #tpu.memory_space<hbm>>
        tpu.wait_dma2 semaphore(%arg19 : memref<!tpu.dma_semaphore, #tpu.memory_space<semaphore_mem>>) src(%dma_wait3A_694 : memref<4x2048xf32, #tpu.memory_space<hbm>>) dst(%dma_wait3A_691 : memref<4x2048xf32, #tpu.memory_space<vmem>>)
      } else {
      }
      %add3A_573 = arith.constant 1 : i32
      %add3A_574 = arith.addi %add3A_457, %add3A_573 : i32
      %lt3A_575 = arith.constant 32 : i32
      %lt3A_576 = arith.cmpi slt, %add3A_574, %lt3A_575 : i32
      %convert_element_type3A_577 = arith.extui %lt3A_576 : i1 to i32
      %cond3A_578 = arith.constant 0 : i32
      %cond3A_579 = arith.cmpi ne, %convert_element_type3A_577, %cond3A_578 : i32
      scf.if %cond3A_579 {
        %add3A_680 = arith.constant 1 : i32
        %add3A_681 = arith.addi %add3A_457, %add3A_680 : i32
        %mul3A_682 = arith.constant 4 : i32
        %mul3A_683 = arith.muli %add3A_681, %mul3A_682 : i32
        %dma_start3A_684 = arith.constant 1 : i32
        %dma_start3A_685 = arith.constant 1 : i32
        %dma_start3A_686 = arith.constant 0 : i32
        %dma_start3A_687 = arith.constant 0 : i32
        %dma_start3A_688 = tpu.memref_slice %arg8[%dma_start3A_685, %dma_start3A_686, %dma_start3A_687] : memref<8x4x2048xf32, #tpu.memory_space<vmem>> -> memref<1x4x2048xf32, #tpu.memory_space<vmem>>
        %dma_start3A_689 = tpu.memref_squeeze %dma_start3A_688 : memref<1x4x2048xf32, #tpu.memory_space<vmem>> -> memref<4x2048xf32, #tpu.memory_space<vmem>>
        %dma_start3A_690 = tpu.memref_slice %arg6[%dma_start3A_684, %mul3A_683] : memref<4x128xi32, #tpu.memory_space<vmem>> -> memref<1x4xi32, #tpu.memory_space<vmem>>
        %dma_start3A_691 = tpu.memref_squeeze %dma_start3A_690 : memref<1x4xi32, #tpu.memory_space<vmem>> -> memref<4xi32, #tpu.memory_space<vmem>>
        %dma_start3A_692 = arith.constant 0 : i32
        %dma_start3A_693 = arith.constant 0 : i32
        %dma_start3A_694 = tpu.memref_slice %arg3[%dma_start3A_692, %dma_start3A_693] : memref<100000x2048xf32, #tpu.memory_space<hbm>> -> memref<100000x2048xf32, #tpu.memory_space<hbm>>
        tpu.enqueue_indirect_dma source(%dma_start3A_694 : memref<100000x2048xf32, #tpu.memory_space<hbm>>) target(%dma_start3A_689 : memref<4x2048xf32, #tpu.memory_space<vmem>>) offsets(%dma_start3A_691 : memref<4xi32, #tpu.memory_space<vmem>>) semaphore(%arg11 : memref<!tpu.dma_semaphore, #tpu.memory_space<semaphore_mem>>)
      } else {
      }
      %dma_wait3A_580 = arith.constant 6 : i32
      %dma_wait3A_581 = arith.constant 0 : i32
      %dma_wait3A_582 = arith.constant 0 : i32
      %dma_wait3A_583 = tpu.memref_slice %arg8[%dma_wait3A_580, %dma_wait3A_581, %dma_wait3A_582] : memref<8x4x2048xf32, #tpu.memory_space<vmem>> -> memref<1x4x2048xf32, #tpu.memory_space<vmem>>
      %dma_wait3A_584 = tpu.memref_squeeze %dma_wait3A_583 : memref<1x4x2048xf32, #tpu.memory_space<vmem>> -> memref<4x2048xf32, #tpu.memory_space<vmem>>
      %dma_wait3A_585 = arith.constant 0 : i32
      %dma_wait3A_586 = arith.constant 0 : i32
      %dma_wait3A_587 = tpu.memref_slice %arg4[%dma_wait3A_585, %dma_wait3A_586] : memref<4096x2048xf32, #tpu.memory_space<hbm>> -> memref<4x2048xf32, #tpu.memory_space<hbm>>
      %dma_wait3A_588 = arith.constant 0 : i32
      %dma_wait3A_589 = arith.constant 0 : i32
      %dma_wait3A_590 = tpu.memref_slice %arg8[%dma_wait3A_580, %dma_wait3A_588, %dma_wait3A_589] : memref<8x4x2048xf32, #tpu.memory_space<vmem>> -> memref<1x4x2048xf32, #tpu.memory_space<vmem>>
      %dma_wait3A_591 = tpu.memref_squeeze %dma_wait3A_590 : memref<1x4x2048xf32, #tpu.memory_space<vmem>> -> memref<4x2048xf32, #tpu.memory_space<vmem>>
      %dma_wait3A_592 = arith.constant 0 : i32
      %dma_wait3A_593 = arith.constant 0 : i32
      %dma_wait3A_594 = tpu.memref_slice %arg4[%dma_wait3A_592, %dma_wait3A_593] : memref<4096x2048xf32, #tpu.memory_space<hbm>> -> memref<4x2048xf32, #tpu.memory_space<hbm>>
      tpu.wait_dma2 semaphore(%arg16 : memref<!tpu.dma_semaphore, #tpu.memory_space<semaphore_mem>>) src(%dma_wait3A_594 : memref<4x2048xf32, #tpu.memory_space<hbm>>) dst(%dma_wait3A_591 : memref<4x2048xf32, #tpu.memory_space<vmem>>)
      %parallel_loop3A_595 = arith.constant 0 : i32
      %parallel_loop3A_596 = arith.constant 512 : i32
      %parallel_loop3A_597 = arith.constant 1 : i32
      %parallel_loop3A_598 = arith.constant 1 : i32
      %parallel_loop3A_599 = arith.constant 6 : i32
      scf.for %parallel_loop3A_680 = %parallel_loop3A_595 to %parallel_loop3A_596 step %parallel_loop3A_597  : i32 {
        %parallel_loop3A_681 = arith.constant 7 : i32
        %parallel_loop3A_682 = arith.shrui %parallel_loop3A_680, %parallel_loop3A_681 : i32
        %parallel_loop3A_683 = arith.constant 127 : i32
        %parallel_loop3A_684 = arith.andi %parallel_loop3A_680, %parallel_loop3A_683 : i32
        %parallel_loop3A_685 = arith.constant 4 : i32
        %parallel_loop3A_686 = arith.shli %parallel_loop3A_684, %parallel_loop3A_685 : i32
        %parallel_loop3A_687 = tpu.assume_multiple %parallel_loop3A_686, 16 : i32
        %parallel_loop3A_688 = arith.constant 0 : i32
        %parallel_loop3A_689 = arith.constant 0 : i32
        %parallel_loop3A_690 = tpu.memref_slice %arg7[%parallel_loop3A_598, %parallel_loop3A_688, %parallel_loop3A_689] : memref<2x4x2048xf32, #tpu.memory_space<vmem>> -> memref<1x4x2048xf32, #tpu.memory_space<vmem>>
        %parallel_loop3A_691 = tpu.memref_squeeze %parallel_loop3A_690 : memref<1x4x2048xf32, #tpu.memory_space<vmem>> -> memref<4x2048xf32, #tpu.memory_space<vmem>>
        %parallel_loop3A_692 = arith.index_cast %parallel_loop3A_682 : i32 to index
        %parallel_loop3A_693 = arith.index_cast %parallel_loop3A_687 : i32 to index
        %parallel_loop3A_694 = tpu.vector_load %parallel_loop3A_691[%parallel_loop3A_692, %parallel_loop3A_693] {strides = array<i32>} : memref<4x2048xf32, #tpu.memory_space<vmem>>, vector<1x16xf32>,
        %parallel_loop3A_695 = vector.shape_cast %parallel_loop3A_694 : vector<1x16xf32> to vector<16xf32>
        %parallel_loop3A_696 = arith.constant 0 : i32
        %parallel_loop3A_697 = arith.constant 0 : i32
        %parallel_loop3A_698 = tpu.memref_slice %arg8[%parallel_loop3A_599, %parallel_loop3A_696, %parallel_loop3A_697] : memref<8x4x2048xf32, #tpu.memory_space<vmem>> -> memref<1x4x2048xf32, #tpu.memory_space<vmem>>
        %parallel_loop3A_699 = tpu.memref_squeeze %parallel_loop3A_698 : memref<1x4x2048xf32, #tpu.memory_space<vmem>> -> memref<4x2048xf32, #tpu.memory_space<vmem>>
        %parallel_loop3A_700 = arith.index_cast %parallel_loop3A_682 : i32 to index
        %parallel_loop3A_701 = arith.index_cast %parallel_loop3A_687 : i32 to index
        %parallel_loop3A_702 = tpu.vector_load %parallel_loop3A_699[%parallel_loop3A_700, %parallel_loop3A_701] {strides = array<i32>} : memref<4x2048xf32, #tpu.memory_space<vmem>>, vector<1x16xf32>,
        %parallel_loop3A_703 = vector.shape_cast %parallel_loop3A_702 : vector<1x16xf32> to vector<16xf32>
        %parallel_loop3A_704 = vector.shape_cast %parallel_loop3A_695 : vector<16xf32> to vector<1x16xf32>
        tpu.vector_store %parallel_loop3A_699[%parallel_loop3A_700, %parallel_loop3A_701], %parallel_loop3A_704 {add = true, strides = array<i32>} : memref<4x2048xf32, #tpu.memory_space<vmem>>, vector<1x16xf32>,
      } {sc.loop_unroll_factor = 8 : i64, sc.parallel_access}
      %add3A_600 = arith.constant 8192 : i32
      %add3A_601 = arith.addi %add3A_600, %mul3A_2 : i32
      %mul3A_602 = arith.constant 4 : i32
      %mul3A_603 = arith.muli %add3A_457, %mul3A_602 : i32
      %add3A_604 = arith.addi %add3A_601, %mul3A_603 : i32
      %dma_start3A_605 = arith.constant 6 : i32
      %dma_start3A_606 = arith.constant 0 : i32
      %dma_start3A_607 = arith.constant 0 : i32
      %dma_start3A_608 = tpu.memref_slice %arg8[%dma_start3A_605, %dma_start3A_606, %dma_start3A_607] : memref<8x4x2048xf32, #tpu.memory_space<vmem>> -> memref<1x4x2048xf32, #tpu.memory_space<vmem>>
      %dma_start3A_609 = tpu.memref_squeeze %dma_start3A_608 : memref<1x4x2048xf32, #tpu.memory_space<vmem>> -> memref<4x2048xf32, #tpu.memory_space<vmem>>
      %dma_start3A_610 = arith.constant 0 : i32
      %dma_start3A_611 = tpu.memref_slice %arg5[%add3A_604, %dma_start3A_610] : memref<16384x2048xf32, #tpu.memory_space<hbm>> -> memref<4x2048xf32, #tpu.memory_space<hbm>>
      %dma_start3A_612 = arith.constant 0 : i32
      %dma_start3A_613 = tpu.memref_slice %arg5[%add3A_604, %dma_start3A_612] : memref<16384x2048xf32, #tpu.memory_space<hbm>> -> memref<4x2048xf32, #tpu.memory_space<hbm>>
      %dma_start3A_614 = arith.constant 0 : i32
      %dma_start3A_615 = arith.constant 0 : i32
      %dma_start3A_616 = tpu.memref_slice %arg8[%dma_start3A_605, %dma_start3A_614, %dma_start3A_615] : memref<8x4x2048xf32, #tpu.memory_space<vmem>> -> memref<1x4x2048xf32, #tpu.memory_space<vmem>>
      %dma_start3A_617 = tpu.memref_squeeze %dma_start3A_616 : memref<1x4x2048xf32, #tpu.memory_space<vmem>> -> memref<4x2048xf32, #tpu.memory_space<vmem>>
      tpu.enqueue_dma source(%dma_start3A_617 : memref<4x2048xf32, #tpu.memory_space<vmem>>) target(%dma_start3A_613 : memref<4x2048xf32, #tpu.memory_space<hbm>>) target_semaphore(%arg24 : memref<!tpu.dma_semaphore, #tpu.memory_space<semaphore_mem>>)
      %ge3A_618 = arith.constant 1 : i32
      %ge3A_619 = arith.cmpi sge, %add3A_457, %ge3A_618 : i32
      %convert_element_type3A_620 = arith.extui %ge3A_619 : i1 to i32
      %cond3A_621 = arith.constant 0 : i32
      %cond3A_622 = arith.cmpi ne, %convert_element_type3A_620, %cond3A_621 : i32
      scf.if %cond3A_622 {
        %dma_wait3A_680 = arith.constant 2 : i32
        %dma_wait3A_681 = arith.constant 0 : i32
        %dma_wait3A_682 = arith.constant 0 : i32
        %dma_wait3A_683 = tpu.memref_slice %arg8[%dma_wait3A_680, %dma_wait3A_681, %dma_wait3A_682] : memref<8x4x2048xf32, #tpu.memory_space<vmem>> -> memref<1x4x2048xf32, #tpu.memory_space<vmem>>
        %dma_wait3A_684 = tpu.memref_squeeze %dma_wait3A_683 : memref<1x4x2048xf32, #tpu.memory_space<vmem>> -> memref<4x2048xf32, #tpu.memory_space<vmem>>
        %dma_wait3A_685 = arith.constant 0 : i32
        %dma_wait3A_686 = arith.constant 0 : i32
        %dma_wait3A_687 = tpu.memref_slice %arg4[%dma_wait3A_685, %dma_wait3A_686] : memref<4096x2048xf32, #tpu.memory_space<hbm>> -> memref<4x2048xf32, #tpu.memory_space<hbm>>
        %dma_wait3A_688 = arith.constant 0 : i32
        %dma_wait3A_689 = arith.constant 0 : i32
        %dma_wait3A_690 = tpu.memref_slice %arg8[%dma_wait3A_680, %dma_wait3A_688, %dma_wait3A_689] : memref<8x4x2048xf32, #tpu.memory_space<vmem>> -> memref<1x4x2048xf32, #tpu.memory_space<vmem>>
        %dma_wait3A_691 = tpu.memref_squeeze %dma_wait3A_690 : memref<1x4x2048xf32, #tpu.memory_space<vmem>> -> memref<4x2048xf32, #tpu.memory_space<vmem>>
        %dma_wait3A_692 = arith.constant 0 : i32
        %dma_wait3A_693 = arith.constant 0 : i32
        %dma_wait3A_694 = tpu.memref_slice %arg4[%dma_wait3A_692, %dma_wait3A_693] : memref<4096x2048xf32, #tpu.memory_space<hbm>> -> memref<4x2048xf32, #tpu.memory_space<hbm>>
        tpu.wait_dma2 semaphore(%arg20 : memref<!tpu.dma_semaphore, #tpu.memory_space<semaphore_mem>>) src(%dma_wait3A_694 : memref<4x2048xf32, #tpu.memory_space<hbm>>) dst(%dma_wait3A_691 : memref<4x2048xf32, #tpu.memory_space<vmem>>)
      } else {
      }
      %add3A_623 = arith.constant 1 : i32
      %add3A_624 = arith.addi %add3A_457, %add3A_623 : i32
      %lt3A_625 = arith.constant 32 : i32
      %lt3A_626 = arith.cmpi slt, %add3A_624, %lt3A_625 : i32
      %convert_element_type3A_627 = arith.extui %lt3A_626 : i1 to i32
      %cond3A_628 = arith.constant 0 : i32
      %cond3A_629 = arith.cmpi ne, %convert_element_type3A_627, %cond3A_628 : i32
      scf.if %cond3A_629 {
        %add3A_680 = arith.constant 1 : i32
        %add3A_681 = arith.addi %add3A_457, %add3A_680 : i32
        %mul3A_682 = arith.constant 4 : i32
        %mul3A_683 = arith.muli %add3A_681, %mul3A_682 : i32
        %dma_start3A_684 = arith.constant 2 : i32
        %dma_start3A_685 = arith.constant 2 : i32
        %dma_start3A_686 = arith.constant 0 : i32
        %dma_start3A_687 = arith.constant 0 : i32
        %dma_start3A_688 = tpu.memref_slice %arg8[%dma_start3A_685, %dma_start3A_686, %dma_start3A_687] : memref<8x4x2048xf32, #tpu.memory_space<vmem>> -> memref<1x4x2048xf32, #tpu.memory_space<vmem>>
        %dma_start3A_689 = tpu.memref_squeeze %dma_start3A_688 : memref<1x4x2048xf32, #tpu.memory_space<vmem>> -> memref<4x2048xf32, #tpu.memory_space<vmem>>
        %dma_start3A_690 = tpu.memref_slice %arg6[%dma_start3A_684, %mul3A_683] : memref<4x128xi32, #tpu.memory_space<vmem>> -> memref<1x4xi32, #tpu.memory_space<vmem>>
        %dma_start3A_691 = tpu.memref_squeeze %dma_start3A_690 : memref<1x4xi32, #tpu.memory_space<vmem>> -> memref<4xi32, #tpu.memory_space<vmem>>
        %dma_start3A_692 = arith.constant 0 : i32
        %dma_start3A_693 = arith.constant 0 : i32
        %dma_start3A_694 = tpu.memref_slice %arg3[%dma_start3A_692, %dma_start3A_693] : memref<100000x2048xf32, #tpu.memory_space<hbm>> -> memref<100000x2048xf32, #tpu.memory_space<hbm>>
        tpu.enqueue_indirect_dma source(%dma_start3A_694 : memref<100000x2048xf32, #tpu.memory_space<hbm>>) target(%dma_start3A_689 : memref<4x2048xf32, #tpu.memory_space<vmem>>) offsets(%dma_start3A_691 : memref<4xi32, #tpu.memory_space<vmem>>) semaphore(%arg12 : memref<!tpu.dma_semaphore, #tpu.memory_space<semaphore_mem>>)
      } else {
      }
      %dma_wait3A_630 = arith.constant 7 : i32
      %dma_wait3A_631 = arith.constant 0 : i32
      %dma_wait3A_632 = arith.constant 0 : i32
      %dma_wait3A_633 = tpu.memref_slice %arg8[%dma_wait3A_630, %dma_wait3A_631, %dma_wait3A_632] : memref<8x4x2048xf32, #tpu.memory_space<vmem>> -> memref<1x4x2048xf32, #tpu.memory_space<vmem>>
      %dma_wait3A_634 = tpu.memref_squeeze %dma_wait3A_633 : memref<1x4x2048xf32, #tpu.memory_space<vmem>> -> memref<4x2048xf32, #tpu.memory_space<vmem>>
      %dma_wait3A_635 = arith.constant 0 : i32
      %dma_wait3A_636 = arith.constant 0 : i32
      %dma_wait3A_637 = tpu.memref_slice %arg4[%dma_wait3A_635, %dma_wait3A_636] : memref<4096x2048xf32, #tpu.memory_space<hbm>> -> memref<4x2048xf32, #tpu.memory_space<hbm>>
      %dma_wait3A_638 = arith.constant 0 : i32
      %dma_wait3A_639 = arith.constant 0 : i32
      %dma_wait3A_640 = tpu.memref_slice %arg8[%dma_wait3A_630, %dma_wait3A_638, %dma_wait3A_639] : memref<8x4x2048xf32, #tpu.memory_space<vmem>> -> memref<1x4x2048xf32, #tpu.memory_space<vmem>>
      %dma_wait3A_641 = tpu.memref_squeeze %dma_wait3A_640 : memref<1x4x2048xf32, #tpu.memory_space<vmem>> -> memref<4x2048xf32, #tpu.memory_space<vmem>>
      %dma_wait3A_642 = arith.constant 0 : i32
      %dma_wait3A_643 = arith.constant 0 : i32
      %dma_wait3A_644 = tpu.memref_slice %arg4[%dma_wait3A_642, %dma_wait3A_643] : memref<4096x2048xf32, #tpu.memory_space<hbm>> -> memref<4x2048xf32, #tpu.memory_space<hbm>>
      tpu.wait_dma2 semaphore(%arg17 : memref<!tpu.dma_semaphore, #tpu.memory_space<semaphore_mem>>) src(%dma_wait3A_644 : memref<4x2048xf32, #tpu.memory_space<hbm>>) dst(%dma_wait3A_641 : memref<4x2048xf32, #tpu.memory_space<vmem>>)
      %parallel_loop3A_645 = arith.constant 0 : i32
      %parallel_loop3A_646 = arith.constant 512 : i32
      %parallel_loop3A_647 = arith.constant 1 : i32
      %parallel_loop3A_648 = arith.constant 1 : i32
      %parallel_loop3A_649 = arith.constant 7 : i32
      scf.for %parallel_loop3A_680 = %parallel_loop3A_645 to %parallel_loop3A_646 step %parallel_loop3A_647  : i32 {
        %parallel_loop3A_681 = arith.constant 7 : i32
        %parallel_loop3A_682 = arith.shrui %parallel_loop3A_680, %parallel_loop3A_681 : i32
        %parallel_loop3A_683 = arith.constant 127 : i32
        %parallel_loop3A_684 = arith.andi %parallel_loop3A_680, %parallel_loop3A_683 : i32
        %parallel_loop3A_685 = arith.constant 4 : i32
        %parallel_loop3A_686 = arith.shli %parallel_loop3A_684, %parallel_loop3A_685 : i32
        %parallel_loop3A_687 = tpu.assume_multiple %parallel_loop3A_686, 16 : i32
        %parallel_loop3A_688 = arith.constant 0 : i32
        %parallel_loop3A_689 = arith.constant 0 : i32
        %parallel_loop3A_690 = tpu.memref_slice %arg7[%parallel_loop3A_648, %parallel_loop3A_688, %parallel_loop3A_689] : memref<2x4x2048xf32, #tpu.memory_space<vmem>> -> memref<1x4x2048xf32, #tpu.memory_space<vmem>>
        %parallel_loop3A_691 = tpu.memref_squeeze %parallel_loop3A_690 : memref<1x4x2048xf32, #tpu.memory_space<vmem>> -> memref<4x2048xf32, #tpu.memory_space<vmem>>
        %parallel_loop3A_692 = arith.index_cast %parallel_loop3A_682 : i32 to index
        %parallel_loop3A_693 = arith.index_cast %parallel_loop3A_687 : i32 to index
        %parallel_loop3A_694 = tpu.vector_load %parallel_loop3A_691[%parallel_loop3A_692, %parallel_loop3A_693] {strides = array<i32>} : memref<4x2048xf32, #tpu.memory_space<vmem>>, vector<1x16xf32>,
        %parallel_loop3A_695 = vector.shape_cast %parallel_loop3A_694 : vector<1x16xf32> to vector<16xf32>
        %parallel_loop3A_696 = arith.constant 0 : i32
        %parallel_loop3A_697 = arith.constant 0 : i32
        %parallel_loop3A_698 = tpu.memref_slice %arg8[%parallel_loop3A_649, %parallel_loop3A_696, %parallel_loop3A_697] : memref<8x4x2048xf32, #tpu.memory_space<vmem>> -> memref<1x4x2048xf32, #tpu.memory_space<vmem>>
        %parallel_loop3A_699 = tpu.memref_squeeze %parallel_loop3A_698 : memref<1x4x2048xf32, #tpu.memory_space<vmem>> -> memref<4x2048xf32, #tpu.memory_space<vmem>>
        %parallel_loop3A_700 = arith.index_cast %parallel_loop3A_682 : i32 to index
        %parallel_loop3A_701 = arith.index_cast %parallel_loop3A_687 : i32 to index
        %parallel_loop3A_702 = tpu.vector_load %parallel_loop3A_699[%parallel_loop3A_700, %parallel_loop3A_701] {strides = array<i32>} : memref<4x2048xf32, #tpu.memory_space<vmem>>, vector<1x16xf32>,
        %parallel_loop3A_703 = vector.shape_cast %parallel_loop3A_702 : vector<1x16xf32> to vector<16xf32>
        %parallel_loop3A_704 = vector.shape_cast %parallel_loop3A_695 : vector<16xf32> to vector<1x16xf32>
        tpu.vector_store %parallel_loop3A_699[%parallel_loop3A_700, %parallel_loop3A_701], %parallel_loop3A_704 {add = true, strides = array<i32>} : memref<4x2048xf32, #tpu.memory_space<vmem>>, vector<1x16xf32>,
      } {sc.loop_unroll_factor = 8 : i64, sc.parallel_access}
      %add3A_650 = arith.constant 12288 : i32
      %add3A_651 = arith.addi %add3A_650, %mul3A_2 : i32
      %mul3A_652 = arith.constant 4 : i32
      %mul3A_653 = arith.muli %add3A_457, %mul3A_652 : i32
      %add3A_654 = arith.addi %add3A_651, %mul3A_653 : i32
      %dma_start3A_655 = arith.constant 7 : i32
      %dma_start3A_656 = arith.constant 0 : i32
      %dma_start3A_657 = arith.constant 0 : i32
      %dma_start3A_658 = tpu.memref_slice %arg8[%dma_start3A_655, %dma_start3A_656, %dma_start3A_657] : memref<8x4x2048xf32, #tpu.memory_space<vmem>> -> memref<1x4x2048xf32, #tpu.memory_space<vmem>>
      %dma_start3A_659 = tpu.memref_squeeze %dma_start3A_658 : memref<1x4x2048xf32, #tpu.memory_space<vmem>> -> memref<4x2048xf32, #tpu.memory_space<vmem>>
      %dma_start3A_660 = arith.constant 0 : i32
      %dma_start3A_661 = tpu.memref_slice %arg5[%add3A_654, %dma_start3A_660] : memref<16384x2048xf32, #tpu.memory_space<hbm>> -> memref<4x2048xf32, #tpu.memory_space<hbm>>
      %dma_start3A_662 = arith.constant 0 : i32
      %dma_start3A_663 = tpu.memref_slice %arg5[%add3A_654, %dma_start3A_662] : memref<16384x2048xf32, #tpu.memory_space<hbm>> -> memref<4x2048xf32, #tpu.memory_space<hbm>>
      %dma_start3A_664 = arith.constant 0 : i32
      %dma_start3A_665 = arith.constant 0 : i32
      %dma_start3A_666 = tpu.memref_slice %arg8[%dma_start3A_655, %dma_start3A_664, %dma_start3A_665] : memref<8x4x2048xf32, #tpu.memory_space<vmem>> -> memref<1x4x2048xf32, #tpu.memory_space<vmem>>
      %dma_start3A_667 = tpu.memref_squeeze %dma_start3A_666 : memref<1x4x2048xf32, #tpu.memory_space<vmem>> -> memref<4x2048xf32, #tpu.memory_space<vmem>>
      tpu.enqueue_dma source(%dma_start3A_667 : memref<4x2048xf32, #tpu.memory_space<vmem>>) target(%dma_start3A_663 : memref<4x2048xf32, #tpu.memory_space<hbm>>) target_semaphore(%arg25 : memref<!tpu.dma_semaphore, #tpu.memory_space<semaphore_mem>>)
      %ge3A_668 = arith.constant 1 : i32
      %ge3A_669 = arith.cmpi sge, %add3A_457, %ge3A_668 : i32
      %convert_element_type3A_670 = arith.extui %ge3A_669 : i1 to i32
      %cond3A_671 = arith.constant 0 : i32
      %cond3A_672 = arith.cmpi ne, %convert_element_type3A_670, %cond3A_671 : i32
      scf.if %cond3A_672 {
        %dma_wait3A_680 = arith.constant 3 : i32
        %dma_wait3A_681 = arith.constant 0 : i32
        %dma_wait3A_682 = arith.constant 0 : i32
        %dma_wait3A_683 = tpu.memref_slice %arg8[%dma_wait3A_680, %dma_wait3A_681, %dma_wait3A_682] : memref<8x4x2048xf32, #tpu.memory_space<vmem>> -> memref<1x4x2048xf32, #tpu.memory_space<vmem>>
        %dma_wait3A_684 = tpu.memref_squeeze %dma_wait3A_683 : memref<1x4x2048xf32, #tpu.memory_space<vmem>> -> memref<4x2048xf32, #tpu.memory_space<vmem>>
        %dma_wait3A_685 = arith.constant 0 : i32
        %dma_wait3A_686 = arith.constant 0 : i32
        %dma_wait3A_687 = tpu.memref_slice %arg4[%dma_wait3A_685, %dma_wait3A_686] : memref<4096x2048xf32, #tpu.memory_space<hbm>> -> memref<4x2048xf32, #tpu.memory_space<hbm>>
        %dma_wait3A_688 = arith.constant 0 : i32
        %dma_wait3A_689 = arith.constant 0 : i32
        %dma_wait3A_690 = tpu.memref_slice %arg8[%dma_wait3A_680, %dma_wait3A_688, %dma_wait3A_689] : memref<8x4x2048xf32, #tpu.memory_space<vmem>> -> memref<1x4x2048xf32, #tpu.memory_space<vmem>>
        %dma_wait3A_691 = tpu.memref_squeeze %dma_wait3A_690 : memref<1x4x2048xf32, #tpu.memory_space<vmem>> -> memref<4x2048xf32, #tpu.memory_space<vmem>>
        %dma_wait3A_692 = arith.constant 0 : i32
        %dma_wait3A_693 = arith.constant 0 : i32
        %dma_wait3A_694 = tpu.memref_slice %arg4[%dma_wait3A_692, %dma_wait3A_693] : memref<4096x2048xf32, #tpu.memory_space<hbm>> -> memref<4x2048xf32, #tpu.memory_space<hbm>>
        tpu.wait_dma2 semaphore(%arg21 : memref<!tpu.dma_semaphore, #tpu.memory_space<semaphore_mem>>) src(%dma_wait3A_694 : memref<4x2048xf32, #tpu.memory_space<hbm>>) dst(%dma_wait3A_691 : memref<4x2048xf32, #tpu.memory_space<vmem>>)
      } else {
      }
      %add3A_673 = arith.constant 1 : i32
      %add3A_674 = arith.addi %add3A_457, %add3A_673 : i32
      %lt3A_675 = arith.constant 32 : i32
      %lt3A_676 = arith.cmpi slt, %add3A_674, %lt3A_675 : i32
      %convert_element_type3A_677 = arith.extui %lt3A_676 : i1 to i32
      %cond3A_678 = arith.constant 0 : i32
      %cond3A_679 = arith.cmpi ne, %convert_element_type3A_677, %cond3A_678 : i32
      scf.if %cond3A_679 {
        %add3A_680 = arith.constant 1 : i32
        %add3A_681 = arith.addi %add3A_457, %add3A_680 : i32
        %mul3A_682 = arith.constant 4 : i32
        %mul3A_683 = arith.muli %add3A_681, %mul3A_682 : i32
        %dma_start3A_684 = arith.constant 3 : i32
        %dma_start3A_685 = arith.constant 3 : i32
        %dma_start3A_686 = arith.constant 0 : i32
        %dma_start3A_687 = arith.constant 0 : i32
        %dma_start3A_688 = tpu.memref_slice %arg8[%dma_start3A_685, %dma_start3A_686, %dma_start3A_687] : memref<8x4x2048xf32, #tpu.memory_space<vmem>> -> memref<1x4x2048xf32, #tpu.memory_space<vmem>>
        %dma_start3A_689 = tpu.memref_squeeze %dma_start3A_688 : memref<1x4x2048xf32, #tpu.memory_space<vmem>> -> memref<4x2048xf32, #tpu.memory_space<vmem>>
        %dma_start3A_690 = tpu.memref_slice %arg6[%dma_start3A_684, %mul3A_683] : memref<4x128xi32, #tpu.memory_space<vmem>> -> memref<1x4xi32, #tpu.memory_space<vmem>>
        %dma_start3A_691 = tpu.memref_squeeze %dma_start3A_690 : memref<1x4xi32, #tpu.memory_space<vmem>> -> memref<4xi32, #tpu.memory_space<vmem>>
        %dma_start3A_692 = arith.constant 0 : i32
        %dma_start3A_693 = arith.constant 0 : i32
        %dma_start3A_694 = tpu.memref_slice %arg3[%dma_start3A_692, %dma_start3A_693] : memref<100000x2048xf32, #tpu.memory_space<hbm>> -> memref<100000x2048xf32, #tpu.memory_space<hbm>>
        tpu.enqueue_indirect_dma source(%dma_start3A_694 : memref<100000x2048xf32, #tpu.memory_space<hbm>>) target(%dma_start3A_689 : memref<4x2048xf32, #tpu.memory_space<vmem>>) offsets(%dma_start3A_691 : memref<4xi32, #tpu.memory_space<vmem>>) semaphore(%arg13 : memref<!tpu.dma_semaphore, #tpu.memory_space<semaphore_mem>>)
      } else {
      }
    }
    %scan3A_171 = arith.constant 16 : i32
    %dma_wait3A_172 = arith.constant 4 : i32
    %dma_wait3A_173 = arith.constant 0 : i32
    %dma_wait3A_174 = arith.constant 0 : i32
    %dma_wait3A_175 = tpu.memref_slice %arg8[%dma_wait3A_172, %dma_wait3A_173, %dma_wait3A_174] : memref<8x4x2048xf32, #tpu.memory_space<vmem>> -> memref<1x4x2048xf32, #tpu.memory_space<vmem>>
    %dma_wait3A_176 = tpu.memref_squeeze %dma_wait3A_175 : memref<1x4x2048xf32, #tpu.memory_space<vmem>> -> memref<4x2048xf32, #tpu.memory_space<vmem>>
    %dma_wait3A_177 = arith.constant 0 : i32
    %dma_wait3A_178 = arith.constant 0 : i32
    %dma_wait3A_179 = tpu.memref_slice %arg4[%dma_wait3A_177, %dma_wait3A_178] : memref<4096x2048xf32, #tpu.memory_space<hbm>> -> memref<4x2048xf32, #tpu.memory_space<hbm>>
    %dma_wait3A_180 = arith.constant 0 : i32
    %dma_wait3A_181 = arith.constant 0 : i32
    %dma_wait3A_182 = tpu.memref_slice %arg8[%dma_wait3A_172, %dma_wait3A_180, %dma_wait3A_181] : memref<8x4x2048xf32, #tpu.memory_space<vmem>> -> memref<1x4x2048xf32, #tpu.memory_space<vmem>>
    %dma_wait3A_183 = tpu.memref_squeeze %dma_wait3A_182 : memref<1x4x2048xf32, #tpu.memory_space<vmem>> -> memref<4x2048xf32, #tpu.memory_space<vmem>>
    %dma_wait3A_184 = arith.constant 0 : i32
    %dma_wait3A_185 = arith.constant 0 : i32
    %dma_wait3A_186 = tpu.memref_slice %arg4[%dma_wait3A_184, %dma_wait3A_185] : memref<4096x2048xf32, #tpu.memory_space<hbm>> -> memref<4x2048xf32, #tpu.memory_space<hbm>>
    tpu.wait_dma2 semaphore(%arg22 : memref<!tpu.dma_semaphore, #tpu.memory_space<semaphore_mem>>) src(%dma_wait3A_186 : memref<4x2048xf32, #tpu.memory_space<hbm>>) dst(%dma_wait3A_183 : memref<4x2048xf32, #tpu.memory_space<vmem>>)
    %dma_wait3A_187 = arith.constant 5 : i32
    %dma_wait3A_188 = arith.constant 0 : i32
    %dma_wait3A_189 = arith.constant 0 : i32
    %dma_wait3A_190 = tpu.memref_slice %arg8[%dma_wait3A_187, %dma_wait3A_188, %dma_wait3A_189] : memref<8x4x2048xf32, #tpu.memory_space<vmem>> -> memref<1x4x2048xf32, #tpu.memory_space<vmem>>
    %dma_wait3A_191 = tpu.memref_squeeze %dma_wait3A_190 : memref<1x4x2048xf32, #tpu.memory_space<vmem>> -> memref<4x2048xf32, #tpu.memory_space<vmem>>
    %dma_wait3A_192 = arith.constant 0 : i32
    %dma_wait3A_193 = arith.constant 0 : i32
    %dma_wait3A_194 = tpu.memref_slice %arg4[%dma_wait3A_192, %dma_wait3A_193] : memref<4096x2048xf32, #tpu.memory_space<hbm>> -> memref<4x2048xf32, #tpu.memory_space<hbm>>
    %dma_wait3A_195 = arith.constant 0 : i32
    %dma_wait3A_196 = arith.constant 0 : i32
    %dma_wait3A_197 = tpu.memref_slice %arg8[%dma_wait3A_187, %dma_wait3A_195, %dma_wait3A_196] : memref<8x4x2048xf32, #tpu.memory_space<vmem>> -> memref<1x4x2048xf32, #tpu.memory_space<vmem>>
    %dma_wait3A_198 = tpu.memref_squeeze %dma_wait3A_197 : memref<1x4x2048xf32, #tpu.memory_space<vmem>> -> memref<4x2048xf32, #tpu.memory_space<vmem>>
    %dma_wait3A_199 = arith.constant 0 : i32
    %dma_wait3A_200 = arith.constant 0 : i32
    %dma_wait3A_201 = tpu.memref_slice %arg4[%dma_wait3A_199, %dma_wait3A_200] : memref<4096x2048xf32, #tpu.memory_space<hbm>> -> memref<4x2048xf32, #tpu.memory_space<hbm>>
    tpu.wait_dma2 semaphore(%arg23 : memref<!tpu.dma_semaphore, #tpu.memory_space<semaphore_mem>>) src(%dma_wait3A_201 : memref<4x2048xf32, #tpu.memory_space<hbm>>) dst(%dma_wait3A_198 : memref<4x2048xf32, #tpu.memory_space<vmem>>)
    %dma_wait3A_202 = arith.constant 6 : i32
    %dma_wait3A_203 = arith.constant 0 : i32
    %dma_wait3A_204 = arith.constant 0 : i32
    %dma_wait3A_205 = tpu.memref_slice %arg8[%dma_wait3A_202, %dma_wait3A_203, %dma_wait3A_204] : memref<8x4x2048xf32, #tpu.memory_space<vmem>> -> memref<1x4x2048xf32, #tpu.memory_space<vmem>>
    %dma_wait3A_206 = tpu.memref_squeeze %dma_wait3A_205 : memref<1x4x2048xf32, #tpu.memory_space<vmem>> -> memref<4x2048xf32, #tpu.memory_space<vmem>>
    %dma_wait3A_207 = arith.constant 0 : i32
    %dma_wait3A_208 = arith.constant 0 : i32
    %dma_wait3A_209 = tpu.memref_slice %arg4[%dma_wait3A_207, %dma_wait3A_208] : memref<4096x2048xf32, #tpu.memory_space<hbm>> -> memref<4x2048xf32, #tpu.memory_space<hbm>>
    %dma_wait3A_210 = arith.constant 0 : i32
    %dma_wait3A_211 = arith.constant 0 : i32
    %dma_wait3A_212 = tpu.memref_slice %arg8[%dma_wait3A_202, %dma_wait3A_210, %dma_wait3A_211] : memref<8x4x2048xf32, #tpu.memory_space<vmem>> -> memref<1x4x2048xf32, #tpu.memory_space<vmem>>
    %dma_wait3A_213 = tpu.memref_squeeze %dma_wait3A_212 : memref<1x4x2048xf32, #tpu.memory_space<vmem>> -> memref<4x2048xf32, #tpu.memory_space<vmem>>
    %dma_wait3A_214 = arith.constant 0 : i32
    %dma_wait3A_215 = arith.constant 0 : i32
    %dma_wait3A_216 = tpu.memref_slice %arg4[%dma_wait3A_214, %dma_wait3A_215] : memref<4096x2048xf32, #tpu.memory_space<hbm>> -> memref<4x2048xf32, #tpu.memory_space<hbm>>
    tpu.wait_dma2 semaphore(%arg24 : memref<!tpu.dma_semaphore, #tpu.memory_space<semaphore_mem>>) src(%dma_wait3A_216 : memref<4x2048xf32, #tpu.memory_space<hbm>>) dst(%dma_wait3A_213 : memref<4x2048xf32, #tpu.memory_space<vmem>>)
    %dma_wait3A_217 = arith.constant 7 : i32
    %dma_wait3A_218 = arith.constant 0 : i32
    %dma_wait3A_219 = arith.constant 0 : i32
    %dma_wait3A_220 = tpu.memref_slice %arg8[%dma_wait3A_217, %dma_wait3A_218, %dma_wait3A_219] : memref<8x4x2048xf32, #tpu.memory_space<vmem>> -> memref<1x4x2048xf32, #tpu.memory_space<vmem>>
    %dma_wait3A_221 = tpu.memref_squeeze %dma_wait3A_220 : memref<1x4x2048xf32, #tpu.memory_space<vmem>> -> memref<4x2048xf32, #tpu.memory_space<vmem>>
    %dma_wait3A_222 = arith.constant 0 : i32
    %dma_wait3A_223 = arith.constant 0 : i32
    %dma_wait3A_224 = tpu.memref_slice %arg4[%dma_wait3A_222, %dma_wait3A_223] : memref<4096x2048xf32, #tpu.memory_space<hbm>> -> memref<4x2048xf32, #tpu.memory_space<hbm>>
    %dma_wait3A_225 = arith.constant 0 : i32
    %dma_wait3A_226 = arith.constant 0 : i32
    %dma_wait3A_227 = tpu.memref_slice %arg8[%dma_wait3A_217, %dma_wait3A_225, %dma_wait3A_226] : memref<8x4x2048xf32, #tpu.memory_space<vmem>> -> memref<1x4x2048xf32, #tpu.memory_space<vmem>>
    %dma_wait3A_228 = tpu.memref_squeeze %dma_wait3A_227 : memref<1x4x2048xf32, #tpu.memory_space<vmem>> -> memref<4x2048xf32, #tpu.memory_space<vmem>>
    %dma_wait3A_229 = arith.constant 0 : i32
    %dma_wait3A_230 = arith.constant 0 : i32
    %dma_wait3A_231 = tpu.memref_slice %arg4[%dma_wait3A_229, %dma_wait3A_230] : memref<4096x2048xf32, #tpu.memory_space<hbm>> -> memref<4x2048xf32, #tpu.memory_space<hbm>>
    tpu.wait_dma2 semaphore(%arg25 : memref<!tpu.dma_semaphore, #tpu.memory_space<semaphore_mem>>) src(%dma_wait3A_231 : memref<4x2048xf32, #tpu.memory_space<hbm>>) dst(%dma_wait3A_228 : memref<4x2048xf32, #tpu.memory_space<vmem>>)
    return
  }
}

</mosaic_0001>

<sc_bundles>
// kernel: kernel.3.cloned.1.call-start
scs
__scs_entry_jumppad:
0x0: {  	(pc) =	sbr.rel $0x88, $3  }
0x1: {  	(tag) =	ssettag $0x0;
	lr =	simm.s32 $0x1  }
0x2: {  	[smem:$0x3F9E] =	sst lr;
	_ =	strace $0xD0000000  }
0x3: {  	_ = 	snop  }
0x4: {  	_ = 	snop  }
0x5: {  	_ = 	snop  }
0x6: {  	_ = 	snop  }
0x7: {  	_ = 	snop  }
__scs_overlays_trampoline_lowered:
0x8: {  	[smem:$0x3FAD] =	sst s0  }
0x9: {  	[smem:$0x3FAE] =	sst s1  }
0xa: {  	[smem:$0x3FAF] =	sst s2  }
0xb: {  	[smem:$0x3FB0] =	sst s3  }
0xc: {  	[smem:$0x3FB1] =	sst s4  }
0xd: {  	[smem:$0x3FB2] =	sst s5  }
0xe: {  	[smem:$0x3FB3] =	sst s6  }
0xf: {  	[smem:$0x3FB4] =	sst s7  }
0x10: {  	[smem:$0x3FB5] =	sst s8  }
0x11: {  	[smem:$0x3FB6] =	sst s9;
	s0 =	simm.s32 @!p0 $0x0  }
0x12: {  	s1 =	sld [smem:$0x3F9C];
	s0 =	simm.s32 @p0 $0x1  }
0x13: {  	[smem:$0x3FB7] =	sst s0;
	s0 =	simm.s32 @!p1 $0x0  }
0x14: {  	s2 =	sld [smem:$0x3F9B];
	s0 =	simm.s32 @p1 $0x1  }
0x15: {  	[smem:$0x3FB8] =	sst s0;
	s0 =	simm.s32 @!p2 $0x0  }
0x16: {  	s3 =	sld [smem:$0x3FDB];
	s0 =	simm.s32 @p2 $0x1  }
0x17: {  	s4 =	simm.s32 $0x1BF5;
	[smem:$0x3FBA] =	sst s0  }
0x18: {  	s0 =	sld [smem:$0x3F9D];
	_ =	swait.ge [sflag:s4], $0x0  }
0x19: {  	s7 =	sld [smem:$0x3F9E]  }
0x1a: {  	s8 =	sadd.s32 $0xFFFFE003, lr  }
0x1b: {  	s9 =	sadd.s32 $0xFFFFFEF7, lr;
	s5 =	simm.s32 $0xFFFFFFFF;
	p2 =	slt.u32 s8, $0xFFFFF086  }
0x1c: {  	p1 =	slt.u32 s9, $0xF7A;
	s5 =	simm.s32 @!p2 $0x0  }
0x1d: {  	s5 =	simm.s32 @p1 $0x1;
	p0 =	seq.s32 s7, s2  }
0x1e: {  	s7 =	smul.u32 @!p0 $0xF7A, s2;
	p2 =	seq.s32 @!p0 s5, $0x0  }
0x1f: {  	s9 =	smul.u32 $0xF7A, s1;
	s8 =	simm.s32 @!p0 $0x1BF5;
	p2 =	por !p2, p0  }
0x20: {  	[sflag:s8] =	ssyncset.s32 @!p0 $0xFFFFF086;
	s6 =	sadd.s32 @!p0 s3, s7;
	s7 =	simm.s32 @!p0 $0x108  }
0x21: {  	s3 =	sadd.s32 s3, s9;
	s6 =	sadd.s32 @!p0 $0x88, s6;
	s7 =	simm.s32 @p2 $0x1082  }
0x22: {  	[simem:s7], [sflag:s8] =	dma.local @!p0 [hbm:s6], $0xF7A  }
0x23: {  	s9 =	sor.u32 $0xD0000000, s2;
	s6 =	simm.s32 $0x108;
	_ =	swait.ge @!p0 [sflag:s8], $0x0  }
0x24: {  	s3 =	sadd.s32 $0x88, s3;
	s6 =	simm.s32 @!p1 $0x1082;
	[sflag:s4] =	ssyncset.s32 $0xFFFFF086  }
0x25: {  	[simem:s6], [sflag:s4] =	dma.local [hbm:s3], $0xF7A  }
0x26: {  	[smem:$0x3F9E] =	sst s1;
	(tag) =	ssettag s2;
	_ =	strace s9  }
0x27: {  	s1 =	sld [smem:$0x3FAE]  }
0x28: {  	s2 =	sld [smem:$0x3FAF]  }
0x29: {  	s4 =	sld [smem:$0x3FB1]  }
0x2a: {  	p0 =	seq.s32 s5, $0x0;
	s5 =	sld [smem:$0x3FB2]  }
0x2b: {  	s6 =	sld [smem:$0x3FB3]  }
0x2c: {  	s7 =	sld [smem:$0x3FB4]  }
0x2d: {  	s3 =	simm.s32 $0x108;
	s8 =	sld [smem:$0x3FB5]  }
0x2e: {  	s3 =	simm.s32 @!p0 $0x1082;
	s9 =	sld [smem:$0x3FB6]  }
0x2f: {  	lr =	sadd.s32 s0, s3;
	s0 =	sld [smem:$0x3FAD]  }
0x30: {  	s3 =	sld [smem:$0x3FB0]  }
0x31: {  	[smem:$0x3FB9] =	sst s10  }
0x32: {  	s10 =	sld [smem:$0x3FB7];
	_ =	sdelay $0x3  }
0x33: {  	p0 =	seq.s32 s10, $0x1;
	s10 =	sld [smem:$0x3FB9];
	_ =	sdelay $0x3  }
0x34: {  	[smem:$0x3FB9] =	sst s10  }
0x35: {  	s10 =	sld [smem:$0x3FB8];
	_ =	sdelay $0x3  }
0x36: {  	p1 =	seq.s32 s10, $0x1;
	s10 =	sld [smem:$0x3FB9];
	_ =	sdelay $0x3  }
0x37: {  	[smem:$0x3FB9] =	sst s10  }
0x38: {  	s10 =	sld [smem:$0x3FBA]  }
0x39: {  	_ = 	snop;
	(pc) =	sbr.ind lr, $3  }
0x3a: {  	_ = 	snop  }
0x3b: {  	_ = 	snop  }
0x3c: {  	p2 =	seq.s32 s10, $0x1;
	s10 =	sld [smem:$0x3FB9]  }
0x3d: {  	_ =	shalt  }
0x3e: {  	_ =	shalt  }
0x3f: {  	_ =	shalt  }
0x40: {  	_ =	shalt  }
0x41: {  	_ =	shalt  }
0x42: {  	_ =	shalt  }
0x43: {  	_ =	shalt  }
0x44: {  	_ =	shalt  }
0x45: {  	_ =	shalt  }
0x46: {  	_ =	shalt  }
0x47: {  	_ =	shalt  }
0x48: {  	_ =	shalt  }
0x49: {  	_ =	shalt  }
0x4a: {  	_ =	shalt  }
0x4b: {  	_ =	shalt  }
0x4c: {  	_ =	shalt  }
0x4d: {  	_ =	shalt  }
0x4e: {  	_ =	shalt  }
0x4f: {  	_ =	shalt  }
0x50: {  	_ =	shalt  }
0x51: {  	_ =	shalt  }
0x52: {  	_ =	shalt  }
0x53: {  	_ =	shalt  }
0x54: {  	_ =	shalt  }
0x55: {  	_ =	shalt  }
0x56: {  	_ =	shalt  }
0x57: {  	_ =	shalt  }
0x58: {  	_ =	shalt  }
0x59: {  	_ =	shalt  }
0x5a: {  	_ =	shalt  }
0x5b: {  	_ =	shalt  }
0x5c: {  	_ =	shalt  }
0x5d: {  	_ =	shalt  }
0x5e: {  	_ =	shalt  }
0x5f: {  	_ =	shalt  }
0x60: {  	_ =	shalt  }
0x61: {  	_ =	shalt  }
0x62: {  	_ =	shalt  }
0x63: {  	_ =	shalt  }
0x64: {  	_ =	shalt  }
0x65: {  	_ =	shalt  }
0x66: {  	_ =	shalt  }
0x67: {  	_ =	shalt  }
0x68: {  	_ =	shalt  }
0x69: {  	_ =	shalt  }
0x6a: {  	_ =	shalt  }
0x6b: {  	_ =	shalt  }
0x6c: {  	_ =	shalt  }
0x6d: {  	_ =	shalt  }
0x6e: {  	_ =	shalt  }
0x6f: {  	_ =	shalt  }
0x70: {  	_ =	shalt  }
0x71: {  	_ =	shalt  }
0x72: {  	_ =	shalt  }
0x73: {  	_ =	shalt  }
0x74: {  	_ =	shalt  }
0x75: {  	_ =	shalt  }
0x76: {  	_ =	shalt  }
0x77: {  	_ =	shalt  }
0x78: {  	_ =	shalt  }
0x79: {  	_ =	shalt  }
0x7a: {  	_ =	shalt  }
0x7b: {  	_ =	shalt  }
0x7c: {  	_ =	shalt  }
0x7d: {  	_ =	shalt  }
0x7e: {  	_ =	shalt  }
0x7f: {  	_ =	shalt  }
0x80: {  	_ =	shalt  }
0x81: {  	_ =	shalt  }
0x82: {  	_ =	shalt  }
0x83: {  	_ =	shalt  }
0x84: {  	_ =	shalt  }
0x85: {  	_ =	shalt  }
0x86: {  	_ =	shalt  }
0x87: {  	_ =	shalt  }
.Lfunc_end0:
.L_simem_size_0:
called_computation_lowered:
.L_overlay_start_0:
0x88: {  	s2 =	sld [smem:$0x3FD9]  }
0x89: {  	s3 =	sld [smem:$0x3FFE];
	_ =	sdelay $0x1  }
0x8a: {  	s1 =	srdreg.scid  }
0x8b: {  	s0 =	sand.u32 $0x1, s1  }
0x8c: {  	s18 =	sshll.u32 s0, $0xA;
	s2 =	sadd.s32 s3, s2  }
0x8d: {  	s2 =	sadd.s32 s2, s18  }
0x8e: {  	[smem:$0x3FC5] =	sst s2  }
0x8f: {  	_ = 	snop  }
0x90: {  	s2 =	sld [smem:$0x3FC9]  }
0x91: {  	s19 =	sld [smem:$0x3FC8]  }
0x92: {  	s4 =	sld [smem:$0x3FC7]  }
0x93: {  	s5 =	sld [smem:$0x3FD0];
	(tm) =	ssettm $0x1  }
0x94: {  	s6 =	sld [smem:$0x3FFB];
	_ =	sdelay $0x3  }
0x95: {  	_ =	strace s6  }
0x96: {  	s6 =	sld [smem:$0x3FFC];
	_ =	sdelay $0x3  }
0x97: {  	_ =	strace s6  }
0x98: {  	s6 =	sld [smem:$0x3FFD];
	_ =	sdelay $0x3  }
0x99: {  	_ =	strace s6  }
0x9a: {  	_ =	strace $0x8FFFFFFF  }
0x9b: {  	s20 =	sld [smem:$0x3FDB];
	_ =	sdelay $0x1  }
0x9c: {  	s7 =	simm.s32 $_scs_section_size  }
0x9d: {  	s8 =	simm.s32 $_size__tile_overlayer_lowered;
	s9 =	simm.s32 $_tile_overlayer_lowered  }
0x9e: {  	s23 =	simm.s32 $0x1BFF;
	s22 =	sshll.u32 s9, $0x1;
	s6 =	sadd.s32 s7, s20  }
0x9f: {  	s10 =	simm.s32 $0x0;
	s21 =	sshll.u32 s8, $0x1;
	s8 =	sadd.s32 s22, s6  }
0xa0: {  	[timem:s10], [sflag:s23] =	dma.local [hbm:s8], s21  }
0xa1: {  	_ =	swait.ge [sflag:s23], s21  }
0xa2: {  	s7 =	ssub.s32 $0x0, s21;
	[sflag:s23] =	ssyncset.done $0x0  }
0xa3: {  	[sflag:s23] =	ssyncadd.s32 s7;
	_ =	sdelay $0x1  }
0xa4: {  	s24 =	simm.s32 $0x1B8B  }
0xa5: {  	_ =	swait.ge [sflag:s24], $0x1  }
0xa6: {  	[sflag:s24] =	ssyncset.done $0x0  }
0xa7: {  	s25 =	simm.s32 $0x1B8E;
	[sflag:s24] =	ssyncadd.s32 $0xFFFFFFFF  }
0xa8: {  	s26 =	simm.s32 $execute0_lowered;
	[smem:$0x3FD2] =	sst s25  }
0xa9: {  	s7 =	sshll.u32 s26, $0x1;
	_ =	strace $0x80000046;
	[dreg:$0x1] =	wrdreg $0xFFFFFFFF  }
0xaa: {  	s28 =	simm.s32 $_size_execute0_lowered;
	s6 =	sadd.s32 s6, s7;
	[dreg:$0x0] =	wrdreg $0x0  }
0xab: {  	s7 =	sshll.u32 s28, $0x1;
	[dreg:$0x2] =	wrdreg s6  }
0xac: {  	[dreg:$0x3] =	wrdreg s7  }
0xad: {  	[dreg:$0x4] =	wrdreg $0xC0  }
0xae: {  	_ =	task [dreg:s10], $0x5FFFF  }
0xaf: {  	[dreg:$0x1] =	wrdreg $0xFFFFFFFF  }
0xb0: {  	[dreg:$0x0] =	wrdreg $0x60  }
0xb1: {  	[dreg:$0x2] =	wrdreg s2  }
0xb2: {  	[dreg:$0x3] =	wrdreg s19  }
0xb3: {  	[dreg:$0x4] =	wrdreg s4  }
0xb4: {  	[dreg:$0x5] =	wrdreg s5  }
0xb5: {  	[dreg:$0x6] =	wrdreg $0x9  }
0xb6: {  	_ =	task.clear_ibuf [dreg:s10], $0x7FFFF;
	_ =	strace $0x90000046  }
0xb7: {  	s29 =	simm.s32 $0x9;
	_ =	strace $0x80000048  }
0xb8: {  	_ =	swait.ge [sflag:s29], $0x1  }
0xb9: {  	[sflag:s29] =	ssyncadd.s32 $0xFFFFFFFF  }
0xba: {  	_ =	strace $0x90000048  }
0xbb: {  	_ =	sfence  }
0xbc: {  	s30 =	sld [smem:$0x0];
	_ =	sdelay $0x2  }
0xbd: {  	s31 =	sshll.u32 s1, $0xD;
	s1 =	sshrl.u32 s1, $0x2  }
0xbe: {  	s3 =	sand.u32 $0x4000, s31;
	s1 =	sadd.s32 s1, s30  }
0xbf: {  	s0 =	sor.u32 s3, s0;
	s1 =	sshll.u32 s1, $0x11  }
0xc0: {  	s0 =	sor.u32 s1, s0  }
0xc1: {  	s0 =	sadd.s32 $0x8F2B, s0  }
0xc2: {  	[sflag:s0] =	ssyncadd.remote.s32 $0x1  }
0xc3: {  	_ =	sfence.sel $0xFFFF  }
0xc4: {  	[dreg:$0x0] =	wrdreg $0xFFFFFFFF;
	(pc) =	sbr.abs _section_cstart, $3  }
0xc5: {  	[dreg:$0x1] =	wrdreg $0xFFFFFFFF  }
0xc6: {  	_ =	task.clear_ibuf [dreg:s10], $0x2FFFF;
	_ =	strace $0x9FFFFFFF  }
0xc7: {  	(tm) =	ssettm $0x7FFFFFFF  }
tec
execute0_lowered:
.L_overlay_start_1:
0x0: {  	(tag) =	ssettag $0x1  }
0x1: {  	s0 =	rddreg [dreg:$0x0]  }
0x2: {  	s1 =	rddreg [dreg:$0x1]  }
0x3: {  	s2 =	srdreg.scid;
	s6 =	rddreg [dreg:$0x2]  }
0x4: {  	s4 =	stileid.u32;
	s3 =	rddreg [dreg:$0x3];
	s29 =	simm.s32 $0xD  }
0x5: {  	s28 =	simm.s32 $0xA200;
	s30 =	simm.s32 $0x5;
	s21 =	simm.s32 $0x6  }
0x6: {  	s14 =	simm.s32 $0x8;
	s10 =	simm.s32 $0x9;
	s9 =	simm.s32 $0x0  }
0x7: {  	s2 =	sand.u32 $0x1, s2;
	s4 =	sshll.u32 s4, $0x8;
	s11 =	sadd.s32 $0x200, s1  }
0x8: {  	s12 =	sadd.s32 $0x400, s1;
	s13 =	sadd.s32 $0x600, s1;
	s5 =	sshll.u32 s2, $0x7  }
0x9: {  	s18 =	sadd.s32 $0x40, s3;
	s2 =	ssub.s32 $0x2, s2;
	s4 =	sor.u32 s5, s4  }
0xa: {  	s5 =	simm.s32 $0x0;
	s8 =	sshrl.u32 s2, $0x1;
	s7 =	sshrl.u32 s4, $0x1  }
0xb: {  	[smem:$0x7FF] =	sst s5;
	s23 =	ssub.s32 s2, s8;
	s31 =	sshll.u32 s4, $0x8  }
0xc: {  	s15 =	sor.u32 $0x1000, s4;
	s16 =	sor.u32 $0x2000, s4;
	s7 =	sadd.s32 s0, s7  }
0xd: {  	_ =	strace $0x80000047;
	s2 =	sadd.s32 s6, s31;
	[dreg:$0x5] =	wrdreg s7  }
0xe: {  	s17 =	sor.u32 $0x3000, s4;
	s0 =	smax.u32 s23, $0x1;
	[dreg:$0x9] =	wrdreg s2  }
.Ltmp0:
0xf: {  	s24 =	sadd.s32 $0x10, s7;
	[dreg:$0xb] =	wrdreg s0;
	(pc) =	sbr.rel .LBB2_1-.Ltmp0, $4  }
0x10: {  	s23 =	simm.s32 $0x400;
	s25 =	sadd.s32 $0x20, s7;
	[dreg:$0x6] =	wrdreg s24  }
0x11: {  	v0 =	vlaneseq.u32;
	s6 =	simm.s32 $0x4;
	s26 =	sadd.s32 $0x30, s7;
	[dreg:$0x7] =	wrdreg s25  }
0x12: {  	v1 =	vshrl.u32 v0, $0x2;
	s2 =	sadd.s32 $0x40, s2;
	s7 =	simm.s32 $0x1;
	[dreg:$0x8] =	wrdreg s26  }
0x13: {  	vm0 =	vmmov $0xffff;
	v0 =	vand.u32 $0x3, v0;
	v1 =	vmul.u32 $0x8, v1;
	[dreg:$0xa] =	wrdreg s2;
	s24 =	simm.s32 $0x200;
	s2 =	simm.s32 $0x7  }
.LBB2_20:
0x14: {  	s0 =	simm.s32 $0xE  }
0x15: {  	_ =	swait.ge [sflag:s0], $0x2000  }
0x16: {  	[sflag:s0] =	ssyncset.done $0x0  }
0x17: {  	s25 =	simm.s32 $0xF;
	[sflag:s0] =	ssyncadd.s32 $0xFFFFE000  }
0x18: {  	_ =	swait.ge [sflag:s25], $0x2000  }
0x19: {  	[sflag:s25] =	ssyncset.done $0x0  }
0x1a: {  	s26 =	simm.s32 $0x10;
	[sflag:s25] =	ssyncadd.s32 $0xFFFFE000  }
0x1b: {  	_ =	swait.ge [sflag:s26], $0x2000  }
0x1c: {  	[sflag:s26] =	ssyncset.done $0x0  }
0x1d: {  	s8 =	simm.s32 $0x11;
	[sflag:s26] =	ssyncadd.s32 $0xFFFFE000  }
0x1e: {  	_ =	swait.ge [sflag:s8], $0x2000  }
0x1f: {  	s9 =	rddreg [dreg:$0xc]  }
0x20: {  	s31 =	rddreg [dreg:$0xb];
	s9 =	sadd.s32 $0x1, s9  }
0x21: {  	p0 =	sne.s32 s9, s31  }
.Ltmp1:
0x22: {  	_ = 	snop;
	(pc) =	sbr.rel @!p0 .LBB2_21-.Ltmp1, $3  }
0x23: {  	_ =	sdelay $0x1  }
0x24: {  	[sflag:s8] =	ssyncset.done $0x0  }
0x25: {  	[sflag:s8] =	ssyncadd.s32 $0xFFFFE000  }
.LBB2_1:
0x26: {  	[dreg:$0xc] =	wrdreg s9  }
0x27: {  	s0 =	rddreg [dreg:$0x5]  }
0x28: {  	[tilespmem:s5], [sflag:$0xA] =	stream.linear.gather [hbm4b:s0+s5], $0x80, $0x38;
	[tilespmem:$0x14200] =	vst v63  }
0x29: {  	s22 =	rddreg [dreg:$0x6];
	s8 =	simm.s32 $0x80  }
0x2a: {  	[tilespmem:s8], [sflag:$0xB] =	stream.linear.gather [hbm4b:s22+s5], $0x80, $0x38;
	[tilespmem:$0x14200] =	vst v63  }
0x2b: {  	s25 =	rddreg [dreg:$0x7];
	s26 =	simm.s32 $0x100  }
0x2c: {  	[tilespmem:s26], [sflag:$0xC] =	stream.linear.gather [hbm4b:s25+s5], $0x80, $0x38;
	[tilespmem:$0x14200] =	vst v63  }
0x2d: {  	s9 =	rddreg [dreg:$0x8];
	s19 =	simm.s32 $0x180  }
0x2e: {  	[tilespmem:s19], [sflag:$0xD] =	stream.linear.gather [hbm4b:s9+s5], $0x80, $0x38;
	[tilespmem:$0x14200] =	vst v63  }
0x2f: {  	s20 =	rddreg [dreg:$0x9];
	s22 =	simm.s32 $0xA  }
0x30: {  	[tilespmem:s24], [sflag:$0x1] =	stream.strided.gather [hbm4b:s20+s24], $0x2000, s23, s24, $0x38;
	[tilespmem:$0x14200] =	vst v63  }
0x31: {  	_ =	swait.ge [sflag:s22], $0x80  }
0x32: {  	[sflag:s22] =	ssyncset.done $0x0  }
0x33: {  	s25 =	simm.s32 $0xB;
	[sflag:s22] =	ssyncadd.s32 $0xFFFFFF80  }
0x34: {  	_ =	swait.ge [sflag:s25], $0x80  }
0x35: {  	[sflag:s25] =	ssyncset.done $0x0  }
0x36: {  	s26 =	simm.s32 $0xC;
	[sflag:s25] =	ssyncadd.s32 $0xFFFFFF80  }
0x37: {  	_ =	swait.ge [sflag:s26], $0x80  }
0x38: {  	[sflag:s26] =	ssyncset.done $0x0  }
0x39: {  	[sflag:s26] =	ssyncadd.s32 $0xFFFFFF80  }
0x3a: {  	_ =	swait.ge [sflag:s29], $0x80  }
0x3b: {  	[sflag:s29] =	ssyncset.done $0x0  }
0x3c: {  	[sflag:s29] =	ssyncadd.s32 $0xFFFFFF80  }
0x3d: {  	v2 =	vld.msk [tilespmem:$0x0], $0xf;
	_ =	sdelay $0x4  }
0x3e: {  	v3 =	vshll.u32 v2, $0x4  }
0x3f: {  	v2 =	vand.u32 $0x7, v2;
	v3 =	vand.u32 $0xFFFFFF80, v3  }
0x40: {  	v2 =	vor.u32 v2, v3  }
0x41: {  	v2 =	vperm.xlane v2, v0;
	_ =	sdelay $0x1  }
0x42: {  	v2 =	vadd.s32 v1, v2;
	_ =	sdelay $0x3  }
0x43: {  	s8 =	simm.s32 $0x4200  }
0x44: {  	[tilespmem:s8], [sflag:$0x2] =	stream.indirect_vreg.gather [hbm4b:s1+s5], $0x80, v2, vm0, $0xb8;
	[tilespmem:$0x14200] =	vst v63  }
0x45: {  	s9 =	simm.s32 $0x4A00  }
0x46: {  	[tilespmem:s9], [sflag:$0x2] =	stream.indirect_vreg.gather [hbm4b:s11+s5], $0x80, v2, vm0, $0xb8;
	[tilespmem:$0x14200] =	vst v63  }
0x47: {  	s19 =	simm.s32 $0x5200  }
0x48: {  	[tilespmem:s19], [sflag:$0x2] =	stream.indirect_vreg.gather [hbm4b:s12+s5], $0x80, v2, vm0, $0xb8;
	[tilespmem:$0x14200] =	vst v63  }
0x49: {  	s20 =	simm.s32 $0x5A00  }
0x4a: {  	[tilespmem:s20], [sflag:$0x2] =	stream.indirect_vreg.gather [hbm4b:s13+s5], $0x80, v2, vm0, $0xb8;
	[tilespmem:$0x14200] =	vst v63  }
0x4b: {  	v2 =	vld.msk [tilespmem:$0x80], $0xf;
	_ =	sdelay $0x4  }
0x4c: {  	v3 =	vshll.u32 v2, $0x4  }
0x4d: {  	v2 =	vand.u32 $0x7, v2;
	v3 =	vand.u32 $0xFFFFFF80, v3  }
0x4e: {  	v2 =	vor.u32 v2, v3  }
0x4f: {  	v2 =	vperm.xlane v2, v0;
	_ =	sdelay $0x1  }
0x50: {  	v2 =	vadd.s32 v1, v2;
	_ =	sdelay $0x3  }
0x51: {  	s22 =	simm.s32 $0x6200  }
0x52: {  	[tilespmem:s22], [sflag:$0x3] =	stream.indirect_vreg.gather [hbm4b:s1+s5], $0x80, v2, vm0, $0xb8;
	[tilespmem:$0x14200] =	vst v63  }
0x53: {  	s25 =	simm.s32 $0x6A00  }
0x54: {  	[tilespmem:s25], [sflag:$0x3] =	stream.indirect_vreg.gather [hbm4b:s11+s5], $0x80, v2, vm0, $0xb8;
	[tilespmem:$0x14200] =	vst v63  }
0x55: {  	s26 =	simm.s32 $0x7200  }
0x56: {  	[tilespmem:s26], [sflag:$0x3] =	stream.indirect_vreg.gather [hbm4b:s12+s5], $0x80, v2, vm0, $0xb8;
	[tilespmem:$0x14200] =	vst v63  }
0x57: {  	s8 =	simm.s32 $0x7A00  }
0x58: {  	[tilespmem:s8], [sflag:$0x3] =	stream.indirect_vreg.gather [hbm4b:s13+s5], $0x80, v2, vm0, $0xb8;
	[tilespmem:$0x14200] =	vst v63  }
0x59: {  	v2 =	vld.msk [tilespmem:$0x100], $0xf;
	_ =	sdelay $0x4  }
0x5a: {  	v3 =	vshll.u32 v2, $0x4  }
0x5b: {  	v2 =	vand.u32 $0x7, v2;
	v3 =	vand.u32 $0xFFFFFF80, v3  }
0x5c: {  	v2 =	vor.u32 v2, v3  }
0x5d: {  	v2 =	vperm.xlane v2, v0;
	_ =	sdelay $0x1  }
0x5e: {  	v2 =	vadd.s32 v1, v2;
	_ =	sdelay $0x3  }
0x5f: {  	s9 =	simm.s32 $0x8200  }
0x60: {  	[tilespmem:s9], [sflag:$0x4] =	stream.indirect_vreg.gather [hbm4b:s1+s5], $0x80, v2, vm0, $0xb8;
	[tilespmem:$0x14200] =	vst v63  }
0x61: {  	s19 =	simm.s32 $0x8A00  }
0x62: {  	[tilespmem:s19], [sflag:$0x4] =	stream.indirect_vreg.gather [hbm4b:s11+s5], $0x80, v2, vm0, $0xb8;
	[tilespmem:$0x14200] =	vst v63  }
0x63: {  	s20 =	simm.s32 $0x9200  }
0x64: {  	[tilespmem:s20], [sflag:$0x4] =	stream.indirect_vreg.gather [hbm4b:s12+s5], $0x80, v2, vm0, $0xb8;
	[tilespmem:$0x14200] =	vst v63  }
0x65: {  	s22 =	simm.s32 $0x9A00  }
0x66: {  	[tilespmem:s22], [sflag:$0x4] =	stream.indirect_vreg.gather [hbm4b:s13+s5], $0x80, v2, vm0, $0xb8;
	[tilespmem:$0x14200] =	vst v63  }
0x67: {  	v2 =	vld.msk [tilespmem:$0x180], $0xf;
	_ =	sdelay $0x4  }
0x68: {  	v3 =	vshll.u32 v2, $0x4  }
0x69: {  	v2 =	vand.u32 $0x7, v2;
	v3 =	vand.u32 $0xFFFFFF80, v3  }
0x6a: {  	v2 =	vor.u32 v2, v3  }
0x6b: {  	v2 =	vperm.xlane v2, v0;
	_ =	sdelay $0x1  }
0x6c: {  	v2 =	vadd.s32 v1, v2;
	_ =	sdelay $0x4  }
0x6d: {  	[tilespmem:s28], [sflag:$0x5] =	stream.indirect_vreg.gather [hbm4b:s1+s5], $0x80, v2, vm0, $0xb8;
	[tilespmem:$0x14200] =	vst v63  }
0x6e: {  	s25 =	simm.s32 $0xAA00  }
0x6f: {  	[tilespmem:s25], [sflag:$0x5] =	stream.indirect_vreg.gather [hbm4b:s11+s5], $0x80, v2, vm0, $0xb8;
	[tilespmem:$0x14200] =	vst v63  }
0x70: {  	s26 =	simm.s32 $0xB200  }
0x71: {  	[tilespmem:s26], [sflag:$0x5] =	stream.indirect_vreg.gather [hbm4b:s12+s5], $0x80, v2, vm0, $0xb8;
	[tilespmem:$0x14200] =	vst v63  }
0x72: {  	s31 =	simm.s32 $0x0;
	s28 =	simm.s32 $0xBA00  }
0x73: {  	[tilespmem:s28], [sflag:$0x5] =	stream.indirect_vreg.gather [hbm4b:s13+s5], $0x80, v2, vm0, $0xb8;
	[tilespmem:$0x14200] =	vst v63  }
.LBB2_2:
0x74: {  	_ =	swait.ge [sflag:s7], $0x2000;
	s0 =	sshll.u32 s31, $0xB  }
0x75: {  	s26 =	simm.s32 $0x2200;
	[sflag:s7] =	ssyncset.done $0x0;
	s8 =	rddreg [dreg:$0xa]  }
0x76: {  	s20 =	simm.s32 $0x2;
	[sflag:s7] =	ssyncadd.s32 $0xFFFFE000;
	s0 =	sadd.s32 s0, s8  }
0x77: {  	[tilespmem:s26], [sflag:$0x1] =	stream.strided.gather [hbm4b:s0+s24], $0x2000, s23, s24, $0x38;
	[tilespmem:$0x14200] =	vst v63  }
0x78: {  	s9 =	simm.s32 $0x0;
	s0 =	simm.s32 $0x0;
	_ =	swait.ge [sflag:s20], $0x2000  }
0x79: {  	s28 =	sand.u32 $0x180, s9;
	s19 =	sand.u32 $0x1E00, s0;
	[sflag:s20] =	ssyncset.done $0x0  }
0x7a: {  	s8 =	sor.u32 s28, s19;
	[sflag:s20] =	ssyncadd.s32 $0xFFFFE000  }
0x7b: {  	v2 =	vld [tilespmem:s8+$0x270]  }
0x7c: {  	v5 =	vld [tilespmem:s8+$0x200]  }
0x7d: {  	v6 =	vld [tilespmem:s8+$0x210]  }
0x7e: {  	v7 =	vld [tilespmem:s8+$0x220]  }
0x7f: {  	v8 =	vld [tilespmem:s8+$0x230]  }
0x80: {  	v4 =	vld [tilespmem:s8+$0x240]  }
0x81: {  	v3 =	vld [tilespmem:s8+$0x250]  }
0x82: {  	[tilespmem:s8+$0x4270] =	vst.add.f32.msk $0xffff, v2  }
0x83: {  	v2 =	vld [tilespmem:s8+$0x260]  }
0x84: {  	[tilespmem:s8+$0x4200] =	vst.add.f32.msk $0xffff, v5  }
0x85: {  	[tilespmem:s8+$0x4210] =	vst.add.f32.msk $0xffff, v6  }
0x86: {  	[tilespmem:s8+$0x4220] =	vst.add.f32.msk $0xffff, v7  }
0x87: {  	[tilespmem:s8+$0x4230] =	vst.add.f32.msk $0xffff, v8  }
.LBB2_3:
0x88: {  	s9 =	sadd.s32 $0x8, s9;
	[tilespmem:s8+$0x4240] =	vst.add.f32.msk $0xffff, v4;
	s0 =	sadd.s32 $0x200, s0  }
0x89: {  	s19 =	sand.u32 $0x180, s9;
	s20 =	sand.u32 $0x1E00, s0;
	p0 =	slt.u32 s9, $0x1F8;
	[tilespmem:s8+$0x4250] =	vst.add.f32.msk $0xffff, v3  }
0x8a: {  	[tilespmem:s8+$0x4260] =	vst.add.f32.msk $0xffff, v2;
	s8 =	sor.u32 s19, s20  }
0x8b: {  	v2 =	vld [tilespmem:s8+$0x270]  }
0x8c: {  	v5 =	vld [tilespmem:s8+$0x200]  }
0x8d: {  	v6 =	vld [tilespmem:s8+$0x210]  }
0x8e: {  	v7 =	vld [tilespmem:s8+$0x220]  }
0x8f: {  	v8 =	vld [tilespmem:s8+$0x230]  }
0x90: {  	[tilespmem:s8+$0x4270] =	vst.add.f32.msk $0xffff, v2  }
0x91: {  	v4 =	vld [tilespmem:s8+$0x240]  }
0x92: {  	v3 =	vld [tilespmem:s8+$0x250]  }
.Ltmp2:
0x93: {  	v2 =	vld [tilespmem:s8+$0x260];
	(pc) =	sbr.rel @p0 .LBB2_3-.Ltmp2, $4  }
0x94: {  	[tilespmem:s8+$0x4200] =	vst.add.f32.msk $0xffff, v5  }
0x95: {  	[tilespmem:s8+$0x4210] =	vst.add.f32.msk $0xffff, v6  }
0x96: {  	[tilespmem:s8+$0x4220] =	vst.add.f32.msk $0xffff, v7  }
0x97: {  	[tilespmem:s8+$0x4230] =	vst.add.f32.msk $0xffff, v8  }
0x98: {  	s19 =	sshll.u32 s31, $0x3  }
0x99: {  	[tilespmem:s8+$0x4240] =	vst.add.f32.msk $0xffff, v4;
	s0 =	sadd.s32 s4, s19  }
0x9a: {  	[tilespmem:s8+$0x4250] =	vst.add.f32.msk $0xffff, v3;
	s0 =	sshll.u32 s0, $0x8  }
0x9b: {  	[tilespmem:s8+$0x4260] =	vst.add.f32.msk $0xffff, v2;
	s20 =	simm.s32 $0x4200;
	p0 =	seq.s32 s31, $0x0;
	s0 =	sadd.s32 s3, s0  }
0x9c: {  	[hbm4b:s0+s24] =	stream.strided.scatter [tilespmem:s20], [sflag:$0xA], $0x2000, s23, s24, $0x38;
	[tilespmem:$0x14200] =	vst v63  }
0x9d: {  	s0 =	simm.s32 @!p0 $0xE  }
0x9e: {  	s8 =	sshllo.u32 s31, $0x1;
	_ =	swait.ge @!p0 [sflag:s0], $0x2000  }
0x9f: {  	s9 =	sshll.u32 s8, $0x4;
	[sflag:s0] =	ssyncset.done @!p0 $0x0  }
0xa0: {  	[sflag:s0] =	ssyncadd.s32 @!p0 $0xFFFFE000;
	s0 =	sshrl.u32 s9, $0x2  }
0xa1: {  	v2 =	vld.msk [tilespmem:s0+$0x0], $0xf;
	_ =	sdelay $0x4  }
0xa2: {  	v3 =	vshll.u32 v2, $0x4  }
0xa3: {  	v2 =	vand.u32 $0x7, v2;
	v3 =	vand.u32 $0xFFFFFF80, v3  }
0xa4: {  	v2 =	vor.u32 v2, v3  }
0xa5: {  	v2 =	vperm.xlane v2, v0;
	_ =	sdelay $0x1  }
0xa6: {  	v2 =	vadd.s32 v1, v2;
	_ =	sdelay $0x3  }
0xa7: {  	s20 =	simm.s32 $0xC200;
	s9 =	simm.s32 $0x0  }
0xa8: {  	[tilespmem:s20], [sflag:$0x6] =	stream.indirect_vreg.gather [hbm4b:s1+s9], $0x80, v2, vm0, $0xb8;
	[tilespmem:$0x14200] =	vst v63  }
0xa9: {  	s22 =	simm.s32 $0xCA00  }
0xaa: {  	[tilespmem:s22], [sflag:$0x6] =	stream.indirect_vreg.gather [hbm4b:s11+s9], $0x80, v2, vm0, $0xb8;
	[tilespmem:$0x14200] =	vst v63  }
0xab: {  	s25 =	simm.s32 $0xD200  }
0xac: {  	[tilespmem:s25], [sflag:$0x6] =	stream.indirect_vreg.gather [hbm4b:s12+s9], $0x80, v2, vm0, $0xb8;
	[tilespmem:$0x14200] =	vst v63  }
0xad: {  	s26 =	simm.s32 $0xDA00  }
0xae: {  	[tilespmem:s26], [sflag:$0x6] =	stream.indirect_vreg.gather [hbm4b:s13+s9], $0x80, v2, vm0, $0xb8;
	[tilespmem:$0x14200] =	vst v63  }
0xaf: {  	s26 =	simm.s32 $0x3  }
0xb0: {  	s25 =	simm.s32 $0x0;
	_ =	swait.ge [sflag:s26], $0x2000  }
0xb1: {  	s22 =	sand.u32 $0x1E00, s9;
	s28 =	sand.u32 $0x180, s25;
	[sflag:s26] =	ssyncset.done $0x0  }
0xb2: {  	s22 =	sor.u32 s28, s22;
	[sflag:s26] =	ssyncadd.s32 $0xFFFFE000  }
0xb3: {  	v2 =	vld [tilespmem:s22+$0x270]  }
0xb4: {  	v5 =	vld [tilespmem:s22+$0x200]  }
0xb5: {  	v6 =	vld [tilespmem:s22+$0x210]  }
0xb6: {  	v7 =	vld [tilespmem:s22+$0x220]  }
0xb7: {  	v8 =	vld [tilespmem:s22+$0x230]  }
0xb8: {  	v4 =	vld [tilespmem:s22+$0x240]  }
0xb9: {  	v3 =	vld [tilespmem:s22+$0x250]  }
0xba: {  	[tilespmem:s22+$0x6270] =	vst.add.f32.msk $0xffff, v2  }
0xbb: {  	v2 =	vld [tilespmem:s22+$0x260]  }
0xbc: {  	[tilespmem:s22+$0x6200] =	vst.add.f32.msk $0xffff, v5  }
0xbd: {  	[tilespmem:s22+$0x6210] =	vst.add.f32.msk $0xffff, v6  }
0xbe: {  	[tilespmem:s22+$0x6220] =	vst.add.f32.msk $0xffff, v7  }
0xbf: {  	s20 =	sshll.u32 s31, $0x1;
	[tilespmem:s22+$0x6230] =	vst.add.f32.msk $0xffff, v8  }
.LBB2_5:
0xc0: {  	s25 =	sadd.s32 $0x8, s25;
	[tilespmem:s22+$0x6240] =	vst.add.f32.msk $0xffff, v4;
	s9 =	sadd.s32 $0x200, s9  }
0xc1: {  	s26 =	sand.u32 $0x180, s25;
	s28 =	sand.u32 $0x1E00, s9;
	p1 =	slt.u32 s25, $0x1F8;
	[tilespmem:s22+$0x6250] =	vst.add.f32.msk $0xffff, v3  }
0xc2: {  	[tilespmem:s22+$0x6260] =	vst.add.f32.msk $0xffff, v2;
	s22 =	sor.u32 s26, s28  }
0xc3: {  	v2 =	vld [tilespmem:s22+$0x270]  }
0xc4: {  	v5 =	vld [tilespmem:s22+$0x200]  }
0xc5: {  	v6 =	vld [tilespmem:s22+$0x210]  }
0xc6: {  	v7 =	vld [tilespmem:s22+$0x220]  }
0xc7: {  	v8 =	vld [tilespmem:s22+$0x230]  }
0xc8: {  	[tilespmem:s22+$0x6270] =	vst.add.f32.msk $0xffff, v2  }
0xc9: {  	v4 =	vld [tilespmem:s22+$0x240]  }
0xca: {  	v3 =	vld [tilespmem:s22+$0x250]  }
.Ltmp3:
0xcb: {  	v2 =	vld [tilespmem:s22+$0x260];
	(pc) =	sbr.rel @p1 .LBB2_5-.Ltmp3, $4  }
0xcc: {  	[tilespmem:s22+$0x6200] =	vst.add.f32.msk $0xffff, v5  }
0xcd: {  	[tilespmem:s22+$0x6210] =	vst.add.f32.msk $0xffff, v6  }
0xce: {  	[tilespmem:s22+$0x6220] =	vst.add.f32.msk $0xffff, v7  }
0xcf: {  	[tilespmem:s22+$0x6230] =	vst.add.f32.msk $0xffff, v8  }
0xd0: {  	s9 =	sadd.s32 s15, s19  }
0xd1: {  	[tilespmem:s22+$0x6240] =	vst.add.f32.msk $0xffff, v4;
	s9 =	sshll.u32 s9, $0x8  }
0xd2: {  	[tilespmem:s22+$0x6250] =	vst.add.f32.msk $0xffff, v3;
	s9 =	sand.u32 $0x1FFFF800, s9  }
0xd3: {  	[tilespmem:s22+$0x6260] =	vst.add.f32.msk $0xffff, v2;
	s25 =	simm.s32 $0x6200;
	s9 =	sadd.s32 s3, s9  }
0xd4: {  	[hbm4b:s9+s24] =	stream.strided.scatter [tilespmem:s25], [sflag:$0xB], $0x2000, s23, s24, $0x38;
	[tilespmem:$0x14200] =	vst v63  }
0xd5: {  	s9 =	simm.s32 @!p0 $0xF  }
0xd6: {  	_ =	swait.ge @!p0 [sflag:s9], $0x2000  }
0xd7: {  	[sflag:s9] =	ssyncset.done @!p0 $0x0  }
0xd8: {  	[sflag:s9] =	ssyncadd.s32 @!p0 $0xFFFFE000  }
0xd9: {  	v2 =	vld.msk [tilespmem:s0+$0x80], $0xf;
	_ =	sdelay $0x4  }
0xda: {  	v3 =	vshll.u32 v2, $0x4  }
0xdb: {  	v2 =	vand.u32 $0x7, v2;
	v3 =	vand.u32 $0xFFFFFF80, v3  }
0xdc: {  	v2 =	vor.u32 v2, v3  }
0xdd: {  	v2 =	vperm.xlane v2, v0;
	_ =	sdelay $0x1  }
0xde: {  	v2 =	vadd.s32 v1, v2;
	_ =	sdelay $0x3  }
0xdf: {  	s26 =	simm.s32 $0xE200;
	s9 =	simm.s32 $0x0  }
0xe0: {  	[tilespmem:s26], [sflag:$0x7] =	stream.indirect_vreg.gather [hbm4b:s1+s9], $0x80, v2, vm0, $0xb8;
	[tilespmem:$0x14200] =	vst v63  }
0xe1: {  	s28 =	simm.s32 $0xEA00  }
0xe2: {  	[tilespmem:s28], [sflag:$0x7] =	stream.indirect_vreg.gather [hbm4b:s11+s9], $0x80, v2, vm0, $0xb8;
	[tilespmem:$0x14200] =	vst v63  }
0xe3: {  	s25 =	simm.s32 $0xF200  }
0xe4: {  	[tilespmem:s25], [sflag:$0x7] =	stream.indirect_vreg.gather [hbm4b:s12+s9], $0x80, v2, vm0, $0xb8;
	[tilespmem:$0x14200] =	vst v63  }
0xe5: {  	s26 =	simm.s32 $0xFA00  }
0xe6: {  	[tilespmem:s26], [sflag:$0x7] =	stream.indirect_vreg.gather [hbm4b:s13+s9], $0x80, v2, vm0, $0xb8;
	[tilespmem:$0x14200] =	vst v63  }
0xe7: {  	s25 =	simm.s32 $0x0;
	_ =	swait.ge [sflag:s6], $0x2000  }
0xe8: {  	s28 =	sand.u32 $0x180, s25;
	s26 =	sand.u32 $0x1E00, s9;
	[sflag:s6] =	ssyncset.done $0x0  }
0xe9: {  	s22 =	sor.u32 s28, s26;
	[sflag:s6] =	ssyncadd.s32 $0xFFFFE000  }
0xea: {  	v2 =	vld [tilespmem:s22+$0x270]  }
0xeb: {  	v5 =	vld [tilespmem:s22+$0x200]  }
0xec: {  	v6 =	vld [tilespmem:s22+$0x210]  }
0xed: {  	v7 =	vld [tilespmem:s22+$0x220]  }
0xee: {  	v8 =	vld [tilespmem:s22+$0x230]  }
0xef: {  	v4 =	vld [tilespmem:s22+$0x240]  }
0xf0: {  	v3 =	vld [tilespmem:s22+$0x250]  }
0xf1: {  	[tilespmem:s22+$0x8270] =	vst.add.f32.msk $0xffff, v2  }
0xf2: {  	v2 =	vld [tilespmem:s22+$0x260]  }
0xf3: {  	[tilespmem:s22+$0x8200] =	vst.add.f32.msk $0xffff, v5  }
0xf4: {  	[tilespmem:s22+$0x8210] =	vst.add.f32.msk $0xffff, v6  }
0xf5: {  	[tilespmem:s22+$0x8220] =	vst.add.f32.msk $0xffff, v7  }
0xf6: {  	[tilespmem:s22+$0x8230] =	vst.add.f32.msk $0xffff, v8  }
.LBB2_7:
0xf7: {  	s25 =	sadd.s32 $0x8, s25;
	[tilespmem:s22+$0x8240] =	vst.add.f32.msk $0xffff, v4;
	s9 =	sadd.s32 $0x200, s9  }
0xf8: {  	s26 =	sand.u32 $0x180, s25;
	s28 =	sand.u32 $0x1E00, s9;
	p1 =	slt.u32 s25, $0x1F8;
	[tilespmem:s22+$0x8250] =	vst.add.f32.msk $0xffff, v3  }
0xf9: {  	[tilespmem:s22+$0x8260] =	vst.add.f32.msk $0xffff, v2;
	s22 =	sor.u32 s26, s28  }
0xfa: {  	v2 =	vld [tilespmem:s22+$0x270]  }
0xfb: {  	v5 =	vld [tilespmem:s22+$0x200]  }
0xfc: {  	v6 =	vld [tilespmem:s22+$0x210]  }
0xfd: {  	v7 =	vld [tilespmem:s22+$0x220]  }
0xfe: {  	v8 =	vld [tilespmem:s22+$0x230]  }
0xff: {  	[tilespmem:s22+$0x8270] =	vst.add.f32.msk $0xffff, v2  }
0x100: {  	v4 =	vld [tilespmem:s22+$0x240]  }
0x101: {  	v3 =	vld [tilespmem:s22+$0x250]  }
.Ltmp4:
0x102: {  	v2 =	vld [tilespmem:s22+$0x260];
	(pc) =	sbr.rel @p1 .LBB2_7-.Ltmp4, $4  }
0x103: {  	[tilespmem:s22+$0x8200] =	vst.add.f32.msk $0xffff, v5  }
0x104: {  	[tilespmem:s22+$0x8210] =	vst.add.f32.msk $0xffff, v6  }
0x105: {  	[tilespmem:s22+$0x8220] =	vst.add.f32.msk $0xffff, v7  }
0x106: {  	[tilespmem:s22+$0x8230] =	vst.add.f32.msk $0xffff, v8  }
0x107: {  	s9 =	sadd.s32 s16, s19  }
0x108: {  	[tilespmem:s22+$0x8240] =	vst.add.f32.msk $0xffff, v4;
	s9 =	sshll.u32 s9, $0x8  }
0x109: {  	[tilespmem:s22+$0x8250] =	vst.add.f32.msk $0xffff, v3;
	s9 =	sand.u32 $0x1FFFF800, s9  }
0x10a: {  	[tilespmem:s22+$0x8260] =	vst.add.f32.msk $0xffff, v2;
	s25 =	simm.s32 $0x8200;
	s9 =	sadd.s32 s3, s9  }
0x10b: {  	[hbm4b:s9+s24] =	stream.strided.scatter [tilespmem:s25], [sflag:$0xC], $0x2000, s23, s24, $0x38;
	[tilespmem:$0x14200] =	vst v63  }
0x10c: {  	s9 =	simm.s32 @!p0 $0x10  }
0x10d: {  	_ =	swait.ge @!p0 [sflag:s9], $0x2000  }
0x10e: {  	[sflag:s9] =	ssyncset.done @!p0 $0x0  }
0x10f: {  	[sflag:s9] =	ssyncadd.s32 @!p0 $0xFFFFE000  }
0x110: {  	v2 =	vld.msk [tilespmem:s0+$0x100], $0xf;
	_ =	sdelay $0x4  }
0x111: {  	v3 =	vshll.u32 v2, $0x4  }
0x112: {  	v2 =	vand.u32 $0x7, v2;
	v3 =	vand.u32 $0xFFFFFF80, v3  }
0x113: {  	v2 =	vor.u32 v2, v3  }
0x114: {  	v2 =	vperm.xlane v2, v0;
	_ =	sdelay $0x1  }
0x115: {  	v2 =	vadd.s32 v1, v2;
	_ =	sdelay $0x3  }
0x116: {  	s26 =	simm.s32 $0x10200;
	s9 =	simm.s32 $0x0  }
0x117: {  	[tilespmem:s26], [sflag:$0x8] =	stream.indirect_vreg.gather [hbm4b:s1+s9], $0x80, v2, vm0, $0xb8;
	[tilespmem:$0x14200] =	vst v63  }
0x118: {  	s28 =	simm.s32 $0x10A00  }
0x119: {  	[tilespmem:s28], [sflag:$0x8] =	stream.indirect_vreg.gather [hbm4b:s11+s9], $0x80, v2, vm0, $0xb8;
	[tilespmem:$0x14200] =	vst v63  }
0x11a: {  	s25 =	simm.s32 $0x11200  }
0x11b: {  	[tilespmem:s25], [sflag:$0x8] =	stream.indirect_vreg.gather [hbm4b:s12+s9], $0x80, v2, vm0, $0xb8;
	[tilespmem:$0x14200] =	vst v63  }
0x11c: {  	s26 =	simm.s32 $0x11A00  }
0x11d: {  	[tilespmem:s26], [sflag:$0x8] =	stream.indirect_vreg.gather [hbm4b:s13+s9], $0x80, v2, vm0, $0xb8;
	[tilespmem:$0x14200] =	vst v63  }
0x11e: {  	s25 =	simm.s32 $0x0;
	_ =	swait.ge [sflag:s30], $0x2000  }
0x11f: {  	s28 =	sand.u32 $0x180, s25;
	s26 =	sand.u32 $0x1E00, s9;
	[sflag:s30] =	ssyncset.done $0x0  }
0x120: {  	s22 =	sor.u32 s28, s26;
	[sflag:s30] =	ssyncadd.s32 $0xFFFFE000  }
0x121: {  	v2 =	vld [tilespmem:s22+$0x270]  }
0x122: {  	v5 =	vld [tilespmem:s22+$0x200]  }
0x123: {  	v6 =	vld [tilespmem:s22+$0x210]  }
0x124: {  	v7 =	vld [tilespmem:s22+$0x220]  }
0x125: {  	v8 =	vld [tilespmem:s22+$0x230]  }
0x126: {  	v4 =	vld [tilespmem:s22+$0x240]  }
0x127: {  	v3 =	vld [tilespmem:s22+$0x250]  }
0x128: {  	[tilespmem:s22+$0xA270] =	vst.add.f32.msk $0xffff, v2  }
0x129: {  	v2 =	vld [tilespmem:s22+$0x260]  }
0x12a: {  	[tilespmem:s22+$0xA200] =	vst.add.f32.msk $0xffff, v5  }
0x12b: {  	[tilespmem:s22+$0xA210] =	vst.add.f32.msk $0xffff, v6  }
0x12c: {  	[tilespmem:s22+$0xA220] =	vst.add.f32.msk $0xffff, v7  }
0x12d: {  	[tilespmem:s22+$0xA230] =	vst.add.f32.msk $0xffff, v8  }
.LBB2_9:
0x12e: {  	s25 =	sadd.s32 $0x8, s25;
	[tilespmem:s22+$0xA240] =	vst.add.f32.msk $0xffff, v4;
	s9 =	sadd.s32 $0x200, s9  }
0x12f: {  	s26 =	sand.u32 $0x180, s25;
	s28 =	sand.u32 $0x1E00, s9;
	p1 =	slt.u32 s25, $0x1F8;
	[tilespmem:s22+$0xA250] =	vst.add.f32.msk $0xffff, v3  }
0x130: {  	[tilespmem:s22+$0xA260] =	vst.add.f32.msk $0xffff, v2;
	s22 =	sor.u32 s26, s28  }
0x131: {  	v2 =	vld [tilespmem:s22+$0x270]  }
0x132: {  	v5 =	vld [tilespmem:s22+$0x200]  }
0x133: {  	v6 =	vld [tilespmem:s22+$0x210]  }
0x134: {  	v7 =	vld [tilespmem:s22+$0x220]  }
0x135: {  	v8 =	vld [tilespmem:s22+$0x230]  }
0x136: {  	[tilespmem:s22+$0xA270] =	vst.add.f32.msk $0xffff, v2  }
0x137: {  	v4 =	vld [tilespmem:s22+$0x240]  }
0x138: {  	v3 =	vld [tilespmem:s22+$0x250]  }
.Ltmp5:
0x139: {  	v2 =	vld [tilespmem:s22+$0x260];
	(pc) =	sbr.rel @p1 .LBB2_9-.Ltmp5, $4  }
0x13a: {  	[tilespmem:s22+$0xA200] =	vst.add.f32.msk $0xffff, v5  }
0x13b: {  	[tilespmem:s22+$0xA210] =	vst.add.f32.msk $0xffff, v6  }
0x13c: {  	[tilespmem:s22+$0xA220] =	vst.add.f32.msk $0xffff, v7  }
0x13d: {  	[tilespmem:s22+$0xA230] =	vst.add.f32.msk $0xffff, v8  }
0x13e: {  	s9 =	sadd.s32 s17, s19  }
0x13f: {  	[tilespmem:s22+$0xA240] =	vst.add.f32.msk $0xffff, v4;
	s9 =	sshll.u32 s9, $0x8  }
0x140: {  	[tilespmem:s22+$0xA250] =	vst.add.f32.msk $0xffff, v3;
	s9 =	sand.u32 $0x1FFFF800, s9  }
0x141: {  	[tilespmem:s22+$0xA260] =	vst.add.f32.msk $0xffff, v2;
	s28 =	simm.s32 $0xA200;
	s9 =	sadd.s32 s3, s9  }
0x142: {  	[hbm4b:s9+s24] =	stream.strided.scatter [tilespmem:s28], [sflag:$0xD], $0x2000, s23, s24, $0x38;
	[tilespmem:$0x14200] =	vst v63  }
0x143: {  	s9 =	simm.s32 @!p0 $0x11  }
0x144: {  	_ =	swait.ge @!p0 [sflag:s9], $0x2000  }
0x145: {  	[sflag:s9] =	ssyncset.done @!p0 $0x0  }
0x146: {  	[sflag:s9] =	ssyncadd.s32 @!p0 $0xFFFFE000  }
0x147: {  	v2 =	vld.msk [tilespmem:s0+$0x180], $0xf;
	_ =	sdelay $0x4  }
0x148: {  	v3 =	vshll.u32 v2, $0x4  }
0x149: {  	v2 =	vand.u32 $0x7, v2;
	v3 =	vand.u32 $0xFFFFFF80, v3  }
0x14a: {  	v2 =	vor.u32 v2, v3  }
0x14b: {  	v2 =	vperm.xlane v2, v0;
	_ =	sdelay $0x1  }
0x14c: {  	v2 =	vadd.s32 v1, v2;
	_ =	sdelay $0x3  }
0x14d: {  	s26 =	simm.s32 $0x12200  }
0x14e: {  	[tilespmem:s26], [sflag:$0x9] =	stream.indirect_vreg.gather [hbm4b:s1+s5], $0x80, v2, vm0, $0xb8;
	[tilespmem:$0x14200] =	vst v63  }
0x14f: {  	s9 =	simm.s32 $0x12A00  }
0x150: {  	[tilespmem:s9], [sflag:$0x9] =	stream.indirect_vreg.gather [hbm4b:s11+s5], $0x80, v2, vm0, $0xb8;
	[tilespmem:$0x14200] =	vst v63  }
0x151: {  	s19 =	simm.s32 $0x13200  }
0x152: {  	[tilespmem:s19], [sflag:$0x9] =	stream.indirect_vreg.gather [hbm4b:s12+s5], $0x80, v2, vm0, $0xb8;
	[tilespmem:$0x14200] =	vst v63  }
0x153: {  	s22 =	simm.s32 $0x13A00;
	p0 =	seq.s32 s31, $0xF  }
0x154: {  	[tilespmem:s22], [sflag:$0x9] =	stream.indirect_vreg.gather [hbm4b:s13+s5], $0x80, v2, vm0, $0xb8;
	[tilespmem:$0x14200] =	vst v63  }
0x155: {  	s19 =	sadd.s32 $0x2, s20;
	s20 =	simm.s32 @!p0 $0x200;
	_ =	swait.ge [sflag:s7], $0x2000  }
0x156: {  	s0 =	sshll.u32 @!p0 s19, $0xA;
	[sflag:s7] =	ssyncset.done $0x0;
	s9 =	rddreg [dreg:$0x9]  }
0x157: {  	[sflag:s7] =	ssyncadd.s32 $0xFFFFE000;
	s0 =	sadd.s32 @!p0 s0, s9;
	s9 =	simm.s32 @!p0 $0x400  }
0x158: {  	[tilespmem:s20], [sflag:$0x1] =	stream.strided.gather @!p0 [hbm4b:s0+s20], $0x2000, s9, s20, $0x38;
	[tilespmem:$0x14200] =	vst v63  }
0x159: {  	s9 =	simm.s32 $0x0;
	s20 =	simm.s32 $0x0;
	_ =	swait.ge [sflag:s21], $0x2000  }
0x15a: {  	s25 =	sand.u32 $0x180, s20;
	s26 =	sand.u32 $0x1E00, s9;
	[sflag:s21] =	ssyncset.done $0x0  }
0x15b: {  	s0 =	sor.u32 s25, s26;
	[sflag:s21] =	ssyncadd.s32 $0xFFFFE000  }
0x15c: {  	v2 =	vld [tilespmem:s0+$0x2270]  }
0x15d: {  	v5 =	vld [tilespmem:s0+$0x2200]  }
0x15e: {  	v6 =	vld [tilespmem:s0+$0x2210]  }
0x15f: {  	v7 =	vld [tilespmem:s0+$0x2220]  }
0x160: {  	v8 =	vld [tilespmem:s0+$0x2230]  }
0x161: {  	v4 =	vld [tilespmem:s0+$0x2240]  }
0x162: {  	v3 =	vld [tilespmem:s0+$0x2250]  }
0x163: {  	[tilespmem:s0+$0xC270] =	vst.add.f32.msk $0xffff, v2  }
0x164: {  	v2 =	vld [tilespmem:s0+$0x2260]  }
0x165: {  	[tilespmem:s0+$0xC200] =	vst.add.f32.msk $0xffff, v5  }
0x166: {  	[tilespmem:s0+$0xC210] =	vst.add.f32.msk $0xffff, v6  }
0x167: {  	[tilespmem:s0+$0xC220] =	vst.add.f32.msk $0xffff, v7  }
0x168: {  	[tilespmem:s0+$0xC230] =	vst.add.f32.msk $0xffff, v8  }
.LBB2_11:
0x169: {  	s20 =	sadd.s32 $0x8, s20;
	[tilespmem:s0+$0xC240] =	vst.add.f32.msk $0xffff, v4;
	s9 =	sadd.s32 $0x200, s9  }
0x16a: {  	s22 =	sand.u32 $0x180, s20;
	s25 =	sand.u32 $0x1E00, s9;
	p1 =	slt.u32 s20, $0x1F8;
	[tilespmem:s0+$0xC250] =	vst.add.f32.msk $0xffff, v3  }
0x16b: {  	[tilespmem:s0+$0xC260] =	vst.add.f32.msk $0xffff, v2;
	s0 =	sor.u32 s22, s25  }
0x16c: {  	v2 =	vld [tilespmem:s0+$0x2270]  }
0x16d: {  	v5 =	vld [tilespmem:s0+$0x2200]  }
0x16e: {  	v6 =	vld [tilespmem:s0+$0x2210]  }
0x16f: {  	v7 =	vld [tilespmem:s0+$0x2220]  }
0x170: {  	v8 =	vld [tilespmem:s0+$0x2230]  }
0x171: {  	[tilespmem:s0+$0xC270] =	vst.add.f32.msk $0xffff, v2  }
0x172: {  	v4 =	vld [tilespmem:s0+$0x2240]  }
0x173: {  	v3 =	vld [tilespmem:s0+$0x2250]  }
.Ltmp6:
0x174: {  	v2 =	vld [tilespmem:s0+$0x2260];
	(pc) =	sbr.rel @p1 .LBB2_11-.Ltmp6, $4  }
0x175: {  	[tilespmem:s0+$0xC200] =	vst.add.f32.msk $0xffff, v5  }
0x176: {  	[tilespmem:s0+$0xC210] =	vst.add.f32.msk $0xffff, v6  }
0x177: {  	[tilespmem:s0+$0xC220] =	vst.add.f32.msk $0xffff, v7  }
0x178: {  	[tilespmem:s0+$0xC230] =	vst.add.f32.msk $0xffff, v8  }
0x179: {  	s8 =	sshll.u32 s8, $0x2  }
0x17a: {  	s9 =	sadd.s32 s4, s8  }
0x17b: {  	[tilespmem:s0+$0xC240] =	vst.add.f32.msk $0xffff, v4;
	s9 =	sshll.u32 s9, $0x8  }
0x17c: {  	[tilespmem:s0+$0xC250] =	vst.add.f32.msk $0xffff, v3;
	s9 =	sand.u32 $0x1FFFF800, s9  }
0x17d: {  	[tilespmem:s0+$0xC260] =	vst.add.f32.msk $0xffff, v2;
	s22 =	simm.s32 $0xC200;
	s25 =	simm.s32 $0xA;
	s20 =	sadd.s32 s9, s18  }
0x17e: {  	[hbm4b:s20+s24] =	stream.strided.scatter [tilespmem:s22], [sflag:$0xE], $0x2000, s23, s24, $0x38;
	[tilespmem:$0x14200] =	vst v63  }
0x17f: {  	_ =	swait.ge [sflag:s25], $0x2000  }
0x180: {  	s0 =	sshll.u32 @!p0 s19, $0x2;
	[sflag:s25] =	ssyncset.done $0x0  }
0x181: {  	s9 =	sand.u32 @!p0 $0x3FFFFFFC, s0;
	[sflag:s25] =	ssyncadd.s32 $0xFFFFE000  }
0x182: {  	v2 =	vld.msk @!p0 [tilespmem:s9+$0x0], $0xf;
	_ =	sdelay $0x4  }
0x183: {  	v3 =	vshll.u32 @!p0 v2, $0x4  }
0x184: {  	v4 =	vlaneseq.u32 @!p0;
	v2 =	vand.u32 @!p0 $0x7, v2;
	v3 =	vand.u32 @!p0 $0xFFFFFF80, v3  }
0x185: {  	v2 =	vor.u32 @!p0 v2, v3;
	v3 =	vand.u32 @!p0 $0x3, v4;
	v4 =	vshrl.u32 @!p0 v4, $0x2  }
0x186: {  	v2 =	vperm.xlane @!p0 v2, v3;
	v3 =	vmul.u32 @!p0 $0x8, v4;
	_ =	sdelay $0x1  }
0x187: {  	v2 =	vadd.s32 @!p0 v3, v2;
	_ =	sdelay $0x3  }
0x188: {  	vm1 =	vmmov @!p0 $0xffff;
	s20 =	simm.s32 @!p0 $0x4200;
	s9 =	simm.s32 @!p0 $0x0  }
0x189: {  	[tilespmem:s20], [sflag:$0x2] =	stream.indirect_vreg.gather @!p0 [hbm4b:s1+s9], $0x80, v2, vm1, $0xb8;
	[tilespmem:$0x14200] =	vst v63  }
0x18a: {  	s20 =	simm.s32 @!p0 $0x4A00  }
0x18b: {  	[tilespmem:s20], [sflag:$0x2] =	stream.indirect_vreg.gather @!p0 [hbm4b:s11+s9], $0x80, v2, vm1, $0xb8;
	[tilespmem:$0x14200] =	vst v63  }
0x18c: {  	s20 =	simm.s32 @!p0 $0x5200  }
0x18d: {  	[tilespmem:s20], [sflag:$0x2] =	stream.indirect_vreg.gather @!p0 [hbm4b:s12+s9], $0x80, v2, vm1, $0xb8;
	[tilespmem:$0x14200] =	vst v63  }
0x18e: {  	s20 =	simm.s32 @!p0 $0x5A00  }
0x18f: {  	[tilespmem:s20], [sflag:$0x2] =	stream.indirect_vreg.gather @!p0 [hbm4b:s13+s9], $0x80, v2, vm1, $0xb8;
	[tilespmem:$0x14200] =	vst v63  }
0x190: {  	s22 =	simm.s32 $0x0;
	s9 =	simm.s32 $0x0;
	_ =	swait.ge [sflag:s2], $0x2000  }
0x191: {  	s26 =	sand.u32 $0x180, s22;
	s25 =	sand.u32 $0x1E00, s9;
	[sflag:s2] =	ssyncset.done $0x0  }
0x192: {  	s20 =	sor.u32 s26, s25;
	[sflag:s2] =	ssyncadd.s32 $0xFFFFE000  }
0x193: {  	v2 =	vld [tilespmem:s20+$0x2270]  }
0x194: {  	v5 =	vld [tilespmem:s20+$0x2200]  }
0x195: {  	v6 =	vld [tilespmem:s20+$0x2210]  }
0x196: {  	v7 =	vld [tilespmem:s20+$0x2220]  }
0x197: {  	v8 =	vld [tilespmem:s20+$0x2230]  }
0x198: {  	v4 =	vld [tilespmem:s20+$0x2240]  }
0x199: {  	v3 =	vld [tilespmem:s20+$0x2250]  }
0x19a: {  	[tilespmem:s20+$0xE270] =	vst.add.f32.msk $0xffff, v2  }
0x19b: {  	v2 =	vld [tilespmem:s20+$0x2260]  }
0x19c: {  	[tilespmem:s20+$0xE200] =	vst.add.f32.msk $0xffff, v5  }
0x19d: {  	[tilespmem:s20+$0xE210] =	vst.add.f32.msk $0xffff, v6  }
0x19e: {  	[tilespmem:s20+$0xE220] =	vst.add.f32.msk $0xffff, v7  }
0x19f: {  	[tilespmem:s20+$0xE230] =	vst.add.f32.msk $0xffff, v8  }
.LBB2_13:
0x1a0: {  	s22 =	sadd.s32 $0x8, s22;
	[tilespmem:s20+$0xE240] =	vst.add.f32.msk $0xffff, v4;
	s9 =	sadd.s32 $0x200, s9  }
0x1a1: {  	s25 =	sand.u32 $0x180, s22;
	s26 =	sand.u32 $0x1E00, s9;
	p1 =	slt.u32 s22, $0x1F8;
	[tilespmem:s20+$0xE250] =	vst.add.f32.msk $0xffff, v3  }
0x1a2: {  	[tilespmem:s20+$0xE260] =	vst.add.f32.msk $0xffff, v2;
	s20 =	sor.u32 s25, s26  }
0x1a3: {  	v2 =	vld [tilespmem:s20+$0x2270]  }
0x1a4: {  	v5 =	vld [tilespmem:s20+$0x2200]  }
0x1a5: {  	v6 =	vld [tilespmem:s20+$0x2210]  }
0x1a6: {  	v7 =	vld [tilespmem:s20+$0x2220]  }
0x1a7: {  	v8 =	vld [tilespmem:s20+$0x2230]  }
0x1a8: {  	[tilespmem:s20+$0xE270] =	vst.add.f32.msk $0xffff, v2  }
0x1a9: {  	v4 =	vld [tilespmem:s20+$0x2240]  }
0x1aa: {  	v3 =	vld [tilespmem:s20+$0x2250]  }
.Ltmp7:
0x1ab: {  	v2 =	vld [tilespmem:s20+$0x2260];
	(pc) =	sbr.rel @p1 .LBB2_13-.Ltmp7, $4  }
0x1ac: {  	[tilespmem:s20+$0xE200] =	vst.add.f32.msk $0xffff, v5  }
0x1ad: {  	[tilespmem:s20+$0xE210] =	vst.add.f32.msk $0xffff, v6  }
0x1ae: {  	[tilespmem:s20+$0xE220] =	vst.add.f32.msk $0xffff, v7  }
0x1af: {  	[tilespmem:s20+$0xE230] =	vst.add.f32.msk $0xffff, v8  }
0x1b0: {  	s9 =	sadd.s32 s15, s8  }
0x1b1: {  	[tilespmem:s20+$0xE240] =	vst.add.f32.msk $0xffff, v4;
	s9 =	sshll.u32 s9, $0x8  }
0x1b2: {  	[tilespmem:s20+$0xE250] =	vst.add.f32.msk $0xffff, v3;
	s9 =	sand.u32 $0x1FFFF800, s9  }
0x1b3: {  	[tilespmem:s20+$0xE260] =	vst.add.f32.msk $0xffff, v2;
	s22 =	simm.s32 $0xE200;
	s25 =	simm.s32 $0xB;
	s9 =	sadd.s32 s9, s18  }
0x1b4: {  	[hbm4b:s9+s24] =	stream.strided.scatter [tilespmem:s22], [sflag:$0xF], $0x2000, s23, s24, $0x38;
	[tilespmem:$0x14200] =	vst v63  }
0x1b5: {  	_ =	swait.ge [sflag:s25], $0x2000  }
0x1b6: {  	[sflag:s25] =	ssyncset.done $0x0  }
0x1b7: {  	s0 =	sand.u32 @!p0 $0xF8, s0;
	[sflag:s25] =	ssyncadd.s32 $0xFFFFE000  }
0x1b8: {  	v2 =	vld.msk @!p0 [tilespmem:s0+$0x80], $0xf;
	_ =	sdelay $0x4  }
0x1b9: {  	v3 =	vshll.u32 @!p0 v2, $0x4  }
0x1ba: {  	v4 =	vlaneseq.u32 @!p0;
	v2 =	vand.u32 @!p0 $0x7, v2;
	v3 =	vand.u32 @!p0 $0xFFFFFF80, v3  }
0x1bb: {  	v2 =	vor.u32 @!p0 v2, v3;
	v3 =	vand.u32 @!p0 $0x3, v4;
	v4 =	vshrl.u32 @!p0 v4, $0x2  }
0x1bc: {  	v2 =	vperm.xlane @!p0 v2, v3;
	v3 =	vmul.u32 @!p0 $0x8, v4;
	_ =	sdelay $0x1  }
0x1bd: {  	v2 =	vadd.s32 @!p0 v3, v2;
	_ =	sdelay $0x3  }
0x1be: {  	s20 =	simm.s32 @!p0 $0x6200;
	s9 =	simm.s32 @!p0 $0x0  }
0x1bf: {  	[tilespmem:s20], [sflag:$0x3] =	stream.indirect_vreg.gather @!p0 [hbm4b:s1+s9], $0x80, v2, vm1, $0xb8;
	[tilespmem:$0x14200] =	vst v63  }
0x1c0: {  	s20 =	simm.s32 @!p0 $0x6A00  }
0x1c1: {  	[tilespmem:s20], [sflag:$0x3] =	stream.indirect_vreg.gather @!p0 [hbm4b:s11+s9], $0x80, v2, vm1, $0xb8;
	[tilespmem:$0x14200] =	vst v63  }
0x1c2: {  	s20 =	simm.s32 @!p0 $0x7200  }
0x1c3: {  	[tilespmem:s20], [sflag:$0x3] =	stream.indirect_vreg.gather @!p0 [hbm4b:s12+s9], $0x80, v2, vm1, $0xb8;
	[tilespmem:$0x14200] =	vst v63  }
0x1c4: {  	s20 =	simm.s32 @!p0 $0x7A00  }
0x1c5: {  	[tilespmem:s20], [sflag:$0x3] =	stream.indirect_vreg.gather @!p0 [hbm4b:s13+s9], $0x80, v2, vm1, $0xb8;
	[tilespmem:$0x14200] =	vst v63  }
0x1c6: {  	s22 =	simm.s32 $0x0;
	s9 =	simm.s32 $0x0;
	_ =	swait.ge [sflag:s14], $0x2000  }
0x1c7: {  	s26 =	sand.u32 $0x180, s22;
	s25 =	sand.u32 $0x1E00, s9;
	[sflag:s14] =	ssyncset.done $0x0  }
0x1c8: {  	s20 =	sor.u32 s26, s25;
	[sflag:s14] =	ssyncadd.s32 $0xFFFFE000  }
0x1c9: {  	v2 =	vld [tilespmem:s20+$0x2270]  }
0x1ca: {  	v5 =	vld [tilespmem:s20+$0x2200]  }
0x1cb: {  	v6 =	vld [tilespmem:s20+$0x2210]  }
0x1cc: {  	v7 =	vld [tilespmem:s20+$0x2220]  }
0x1cd: {  	v8 =	vld [tilespmem:s20+$0x2230]  }
0x1ce: {  	v4 =	vld [tilespmem:s20+$0x2240]  }
0x1cf: {  	v3 =	vld [tilespmem:s20+$0x2250]  }
0x1d0: {  	[tilespmem:s20+$0x10270] =	vst.add.f32.msk $0xffff, v2  }
0x1d1: {  	v2 =	vld [tilespmem:s20+$0x2260]  }
0x1d2: {  	[tilespmem:s20+$0x10200] =	vst.add.f32.msk $0xffff, v5  }
0x1d3: {  	[tilespmem:s20+$0x10210] =	vst.add.f32.msk $0xffff, v6  }
0x1d4: {  	[tilespmem:s20+$0x10220] =	vst.add.f32.msk $0xffff, v7  }
0x1d5: {  	[tilespmem:s20+$0x10230] =	vst.add.f32.msk $0xffff, v8  }
.LBB2_15:
0x1d6: {  	s22 =	sadd.s32 $0x8, s22;
	[tilespmem:s20+$0x10240] =	vst.add.f32.msk $0xffff, v4;
	s9 =	sadd.s32 $0x200, s9  }
0x1d7: {  	s25 =	sand.u32 $0x180, s22;
	s26 =	sand.u32 $0x1E00, s9;
	p1 =	slt.u32 s22, $0x1F8;
	[tilespmem:s20+$0x10250] =	vst.add.f32.msk $0xffff, v3  }
0x1d8: {  	[tilespmem:s20+$0x10260] =	vst.add.f32.msk $0xffff, v2;
	s20 =	sor.u32 s25, s26  }
0x1d9: {  	v2 =	vld [tilespmem:s20+$0x2270]  }
0x1da: {  	v5 =	vld [tilespmem:s20+$0x2200]  }
0x1db: {  	v6 =	vld [tilespmem:s20+$0x2210]  }
0x1dc: {  	v7 =	vld [tilespmem:s20+$0x2220]  }
0x1dd: {  	v8 =	vld [tilespmem:s20+$0x2230]  }
0x1de: {  	[tilespmem:s20+$0x10270] =	vst.add.f32.msk $0xffff, v2  }
0x1df: {  	v4 =	vld [tilespmem:s20+$0x2240]  }
0x1e0: {  	v3 =	vld [tilespmem:s20+$0x2250]  }
.Ltmp8:
0x1e1: {  	v2 =	vld [tilespmem:s20+$0x2260];
	(pc) =	sbr.rel @p1 .LBB2_15-.Ltmp8, $4  }
0x1e2: {  	[tilespmem:s20+$0x10200] =	vst.add.f32.msk $0xffff, v5  }
0x1e3: {  	[tilespmem:s20+$0x10210] =	vst.add.f32.msk $0xffff, v6  }
0x1e4: {  	[tilespmem:s20+$0x10220] =	vst.add.f32.msk $0xffff, v7  }
0x1e5: {  	[tilespmem:s20+$0x10230] =	vst.add.f32.msk $0xffff, v8  }
0x1e6: {  	s9 =	sadd.s32 s16, s8  }
0x1e7: {  	[tilespmem:s20+$0x10240] =	vst.add.f32.msk $0xffff, v4;
	s9 =	sshll.u32 s9, $0x8  }
0x1e8: {  	[tilespmem:s20+$0x10250] =	vst.add.f32.msk $0xffff, v3;
	s9 =	sand.u32 $0x1FFFF800, s9  }
0x1e9: {  	[tilespmem:s20+$0x10260] =	vst.add.f32.msk $0xffff, v2;
	s22 =	simm.s32 $0x10200;
	s25 =	simm.s32 $0xC;
	s9 =	sadd.s32 s9, s18  }
0x1ea: {  	[hbm4b:s9+s24] =	stream.strided.scatter [tilespmem:s22], [sflag:$0x10], $0x2000, s23, s24, $0x38;
	[tilespmem:$0x14200] =	vst v63  }
0x1eb: {  	_ =	swait.ge [sflag:s25], $0x2000  }
0x1ec: {  	[sflag:s25] =	ssyncset.done $0x0  }
0x1ed: {  	s0 =	sor.u32 @!p0 $0x100, s0;
	[sflag:s25] =	ssyncadd.s32 $0xFFFFE000  }
0x1ee: {  	v2 =	vld.msk @!p0 [tilespmem:s0+$0x0], $0xf;
	_ =	sdelay $0x4  }
0x1ef: {  	v3 =	vshll.u32 @!p0 v2, $0x4  }
0x1f0: {  	v4 =	vlaneseq.u32 @!p0;
	v2 =	vand.u32 @!p0 $0x7, v2;
	v3 =	vand.u32 @!p0 $0xFFFFFF80, v3  }
0x1f1: {  	v2 =	vor.u32 @!p0 v2, v3;
	v3 =	vand.u32 @!p0 $0x3, v4;
	v4 =	vshrl.u32 @!p0 v4, $0x2  }
0x1f2: {  	v2 =	vperm.xlane @!p0 v2, v3;
	v3 =	vmul.u32 @!p0 $0x8, v4;
	_ =	sdelay $0x1  }
0x1f3: {  	v2 =	vadd.s32 @!p0 v3, v2;
	_ =	sdelay $0x3  }
0x1f4: {  	s9 =	simm.s32 @!p0 $0x8200;
	s0 =	simm.s32 @!p0 $0x0  }
0x1f5: {  	[tilespmem:s9], [sflag:$0x4] =	stream.indirect_vreg.gather @!p0 [hbm4b:s1+s0], $0x80, v2, vm1, $0xb8;
	[tilespmem:$0x14200] =	vst v63  }
0x1f6: {  	s9 =	simm.s32 @!p0 $0x8A00  }
0x1f7: {  	[tilespmem:s9], [sflag:$0x4] =	stream.indirect_vreg.gather @!p0 [hbm4b:s11+s0], $0x80, v2, vm1, $0xb8;
	[tilespmem:$0x14200] =	vst v63  }
0x1f8: {  	s9 =	simm.s32 @!p0 $0x9200  }
0x1f9: {  	[tilespmem:s9], [sflag:$0x4] =	stream.indirect_vreg.gather @!p0 [hbm4b:s12+s0], $0x80, v2, vm1, $0xb8;
	[tilespmem:$0x14200] =	vst v63  }
0x1fa: {  	s9 =	simm.s32 @!p0 $0x9A00  }
0x1fb: {  	[tilespmem:s9], [sflag:$0x4] =	stream.indirect_vreg.gather @!p0 [hbm4b:s13+s0], $0x80, v2, vm1, $0xb8;
	[tilespmem:$0x14200] =	vst v63  }
0x1fc: {  	s20 =	simm.s32 $0x0;
	s0 =	simm.s32 $0x0;
	_ =	swait.ge [sflag:s10], $0x2000  }
0x1fd: {  	s26 =	sand.u32 $0x180, s20;
	s22 =	sand.u32 $0x1E00, s0;
	[sflag:s10] =	ssyncset.done $0x0  }
0x1fe: {  	s9 =	sor.u32 s26, s22;
	[sflag:s10] =	ssyncadd.s32 $0xFFFFE000  }
0x1ff: {  	v2 =	vld [tilespmem:s9+$0x2270]  }
0x200: {  	v5 =	vld [tilespmem:s9+$0x2200]  }
0x201: {  	v6 =	vld [tilespmem:s9+$0x2210]  }
0x202: {  	v7 =	vld [tilespmem:s9+$0x2220]  }
0x203: {  	v8 =	vld [tilespmem:s9+$0x2230]  }
0x204: {  	v4 =	vld [tilespmem:s9+$0x2240]  }
0x205: {  	v3 =	vld [tilespmem:s9+$0x2250]  }
0x206: {  	[tilespmem:s9+$0x12270] =	vst.add.f32.msk $0xffff, v2  }
0x207: {  	v2 =	vld [tilespmem:s9+$0x2260]  }
0x208: {  	[tilespmem:s9+$0x12200] =	vst.add.f32.msk $0xffff, v5  }
0x209: {  	[tilespmem:s9+$0x12210] =	vst.add.f32.msk $0xffff, v6  }
0x20a: {  	[tilespmem:s9+$0x12220] =	vst.add.f32.msk $0xffff, v7  }
0x20b: {  	[tilespmem:s9+$0x12230] =	vst.add.f32.msk $0xffff, v8  }
.LBB2_17:
0x20c: {  	s20 =	sadd.s32 $0x8, s20;
	[tilespmem:s9+$0x12240] =	vst.add.f32.msk $0xffff, v4;
	s0 =	sadd.s32 $0x200, s0  }
0x20d: {  	s22 =	sand.u32 $0x180, s20;
	s25 =	sand.u32 $0x1E00, s0;
	p1 =	slt.u32 s20, $0x1F8;
	[tilespmem:s9+$0x12250] =	vst.add.f32.msk $0xffff, v3  }
0x20e: {  	[tilespmem:s9+$0x12260] =	vst.add.f32.msk $0xffff, v2;
	s9 =	sor.u32 s22, s25  }
0x20f: {  	v2 =	vld [tilespmem:s9+$0x2270]  }
0x210: {  	v5 =	vld [tilespmem:s9+$0x2200]  }
0x211: {  	v6 =	vld [tilespmem:s9+$0x2210]  }
0x212: {  	v7 =	vld [tilespmem:s9+$0x2220]  }
0x213: {  	v8 =	vld [tilespmem:s9+$0x2230]  }
0x214: {  	[tilespmem:s9+$0x12270] =	vst.add.f32.msk $0xffff, v2  }
0x215: {  	v4 =	vld [tilespmem:s9+$0x2240]  }
0x216: {  	v3 =	vld [tilespmem:s9+$0x2250]  }
.Ltmp9:
0x217: {  	v2 =	vld [tilespmem:s9+$0x2260];
	(pc) =	sbr.rel @p1 .LBB2_17-.Ltmp9, $4  }
0x218: {  	[tilespmem:s9+$0x12200] =	vst.add.f32.msk $0xffff, v5  }
0x219: {  	[tilespmem:s9+$0x12210] =	vst.add.f32.msk $0xffff, v6  }
0x21a: {  	[tilespmem:s9+$0x12220] =	vst.add.f32.msk $0xffff, v7  }
0x21b: {  	[tilespmem:s9+$0x12230] =	vst.add.f32.msk $0xffff, v8  }
0x21c: {  	s0 =	sadd.s32 s17, s8  }
0x21d: {  	[tilespmem:s9+$0x12240] =	vst.add.f32.msk $0xffff, v4;
	s0 =	sshll.u32 s0, $0x8  }
0x21e: {  	[tilespmem:s9+$0x12250] =	vst.add.f32.msk $0xffff, v3;
	s0 =	sand.u32 $0x1FFFF800, s0  }
.Ltmp10:
0x21f: {  	[tilespmem:s9+$0x12260] =	vst.add.f32.msk $0xffff, v2;
	s26 =	simm.s32 $0x12200;
	s0 =	sadd.s32 s0, s18;
	(pc) =	sbr.rel @p0 .LBB2_20-.Ltmp10, $4  }
0x220: {  	[hbm4b:s0+s24] =	stream.strided.scatter [tilespmem:s26], [sflag:$0x11], $0x2000, s23, s24, $0x38;
	[tilespmem:$0x14200] =	vst v63  }
0x221: {  	_ =	swait.ge [sflag:s29], $0x2000  }
0x222: {  	[sflag:s29] =	ssyncset.done $0x0  }
0x223: {  	[sflag:s29] =	ssyncadd.s32 $0xFFFFE000  }
0x224: {  	s0 =	sshll.u32 s19, $0x2  }
0x225: {  	s0 =	sand.u32 $0xF8, s0  }
0x226: {  	v2 =	vld.msk [tilespmem:s0+$0x180], $0xf;
	_ =	sdelay $0x4  }
0x227: {  	v3 =	vshll.u32 v2, $0x4  }
0x228: {  	v2 =	vand.u32 $0x7, v2;
	v3 =	vand.u32 $0xFFFFFF80, v3  }
0x229: {  	v2 =	vor.u32 v2, v3  }
0x22a: {  	v2 =	vperm.xlane v2, v0;
	_ =	sdelay $0x1  }
0x22b: {  	v2 =	vadd.s32 v1, v2;
	_ =	sdelay $0x4  }
0x22c: {  	[tilespmem:s28], [sflag:$0x5] =	stream.indirect_vreg.gather [hbm4b:s1+s5], $0x80, v2, vm0, $0xb8;
	[tilespmem:$0x14200] =	vst v63  }
0x22d: {  	s25 =	simm.s32 $0xAA00  }
0x22e: {  	[tilespmem:s25], [sflag:$0x5] =	stream.indirect_vreg.gather [hbm4b:s11+s5], $0x80, v2, vm0, $0xb8;
	[tilespmem:$0x14200] =	vst v63  }
.Ltmp11:
0x22f: {  	_ = 	snop;
	(pc) =	sbr.rel .LBB2_2-.Ltmp11, $4  }
0x230: {  	s26 =	simm.s32 $0xB200  }
0x231: {  	[tilespmem:s26], [sflag:$0x5] =	stream.indirect_vreg.gather [hbm4b:s12+s5], $0x80, v2, vm0, $0xb8;
	[tilespmem:$0x14200] =	vst v63  }
0x232: {  	s31 =	sadd.s32 $0x1, s31;
	s28 =	simm.s32 $0xBA00  }
0x233: {  	[tilespmem:s28], [sflag:$0x5] =	stream.indirect_vreg.gather [hbm4b:s13+s5], $0x80, v2, vm0, $0xb8;
	[tilespmem:$0x14200] =	vst v63  }
.LBB2_21:
0x234: {  	_ =	sfence.sel $0x180000  }
0x235: {  	[bflag:$0x0] =	sbarrier.arrive $0xFFFF  }
0x236: {  	_ =	strace $0x90000047  }
0x237: {  	s0 =	stileid.u32;
	[bflag:$0x2] =	sbarrier.arrive $0xFFFF  }
0x238: {  	p0 =	sne.s32 s0, $0x0;
	s0 =	rddreg [dreg:$0x4]  }
0x239: {  	s0 =	sadd.s32 @!p0 $0x100000, s0  }
0x23a: {  	[sflag:s0] =	ssyncadd.tile.s32 @!p0 $0x1;
	_ =	shalt  }
.Lfunc_end2:
_tile_overlayer_lowered:
.L_overlay_start_2:
0x23b: {  	(tag) =	ssettag $0x2  }
0x23c: {  	s0 =	rddreg [dreg:$0x0];
	s2 =	stileid.u32  }
0x23d: {  	s1 =	rddreg [dreg:$0x1];
	p0 =	sne.s32 s2, $0x0  }
0x23e: {  	s3 =	rddreg [dreg:$0x2];
	[bflag:$0x3] =	sbarrier.arrive $0xFFFF;
	s2 =	simm.s32 @!p0 $0x1C12  }
0x23f: {  	[timem:s3], [sflag:s2] =	dma.local @!p0 [hbm:s0], s1  }
0x240: {  	s0 =	simm.s32 @!p0 $0x12  }
0x241: {  	_ =	swait.ge @!p0 [sflag:s0], s1  }
0x242: {  	s1 =	ssub.s32 @!p0 $0x0, s1;
	[sflag:s0] =	ssyncset.done @!p0 $0x0  }
0x243: {  	[sflag:s0] =	ssyncadd.s32 @!p0 s1  }
0x244: {  	[bflag:$0x3] =	sbarrier.arrive $0xFFFF  }
0x245: {  	_ =	shalt  }

</sc_bundles>
